<compile_context>
chip_gen: v7x
topology: tpu7x:2x2x1
jax: 0.10.2.dev20260603
libtpu: 0.0.44.dev20260713+nightly
codegen_flags: <defaults>
</compile_context>

<pallas_src>
import functools

import jax
import jax.numpy as jnp
from jax import lax
from jax.experimental import pallas as pl
from jax.experimental.pallas import tpu as pltpu
from jax.experimental.pallas import tpu_sc as plsc

_HIDDEN = 1024
_NUM_CORES = 2
_NUM_SUBCORES = 16
_NW = _NUM_CORES * _NUM_SUBCORES
_NBUF = 6
_CHUNK = 16


def _embed_body(b_per_w, tokens_hbm, table_hbm, out_hbm,
                idx_v, bufs, gsems, ssems):
    wid = lax.axis_index("s") * _NUM_CORES + lax.axis_index("c")
    base = wid * b_per_w
    nchunk = b_per_w // _CHUNK
    d = _NBUF
    pltpu.sync_copy(tokens_hbm.at[wid], idx_v)

    def start_gather(c, j):
        pltpu.async_copy(table_hbm.at[idx_v.at[c]], bufs[j], gsems[j])

    def wait_gather(c, j):
        pltpu.make_async_copy(
            table_hbm.at[idx_v.at[c]], bufs[j], gsems[j]).wait()

    def start_store(c, j):
        pltpu.async_copy(
            bufs[j], out_hbm.at[pl.ds(base + c * _CHUNK, _CHUNK)], ssems[j])

    def wait_store(c, j):
        pltpu.make_async_copy(
            bufs[j], out_hbm.at[pl.ds(base + c * _CHUNK, _CHUNK)],
            ssems[j]).wait()

    def process(c, j, reissue):
        wait_gather(c, j)
        start_store(c, j)
        if reissue:
            jp = (j - 1) % d
            wait_store(c - 1, jp)
            start_gather(c - 1 + d, jp)

    for j in range(d):
        start_gather(j, j)
    for c in range(d):
        process(c, c, 0 < c)

    p_hi = (nchunk - 2 * d + 1) // d

    def grp_step(p, carry):
        c0 = p * d
        for j in range(d):
            process(c0 + j, j, True)
        return carry

    lax.fori_loop(1, p_hi + 1, grp_step, 0, unroll=False)

    for c in range((p_hi + 1) * d, nchunk):
        process(c, c % d, c - 1 + d < nchunk)
    for c in range(nchunk - d, nchunk):
        wait_store(c, c % d)


def kernel(tokens, embedding):
    b = tokens.size
    b_per_w = b // _NW
    nchunk = b_per_w // _CHUNK
    flat = tokens.reshape(_NW, nchunk, _CHUNK)
    mesh = plsc.VectorSubcoreMesh(core_axis_name="c", subcore_axis_name="s")
    out = pl.kernel(
        functools.partial(_embed_body, b_per_w),
        out_type=jax.ShapeDtypeStruct((b, _HIDDEN), jnp.float32),
        mesh=mesh,
        scratch_types=[
            pltpu.VMEM((nchunk, _CHUNK), jnp.int32),
            [pltpu.VMEM((_CHUNK, _HIDDEN), jnp.float32)
             for _ in range(_NBUF)],
            [pltpu.SemaphoreType.DMA for _ in range(_NBUF)],
            [pltpu.SemaphoreType.DMA for _ in range(_NBUF)],
        ],
    )(flat, embedding)
    return out.reshape(tokens.shape + (_HIDDEN,))

# --- scband reference (transcript-rebuilt; emitter-appended) ---
"""Pipeline reference for scband-token-embedder-60894046322753 (READ-ONLY COPY).

The authoritative reference and input builder live on the scoring server;
editing this copy changes nothing except your own understanding.
"""

import jax, jax.numpy as jnp
import numpy as np

VOCAB = 32768
HIDDEN = 1024


def setup_inputs(seed: int = 0) -> dict:
    key = jax.random.key(seed)
    k1, k2 = jax.random.split(key)
    tokens = jax.random.randint(k1, (4, 8192), 0, VOCAB, dtype=jnp.int32)
    # hidden_size > 768 -> xavier_uniform init in the original module
    limit = float(np.sqrt(6.0 / (VOCAB + HIDDEN)))
    embedding = jax.random.uniform(k2, (VOCAB, HIDDEN), minval=-limit, maxval=limit, dtype=jnp.float32)
    return {"tokens": tokens, "embedding": embedding}


def reference(tokens, embedding):
    # Faithful translation of TokenEmbedder.__call__ with token_dict = {"tokens": tokens}
    token_dict = {"tokens": tokens}
    keys = sorted(token_dict.keys())
    shapes = [token_dict[k].shape for k in keys]
    n_elems = [int(np.prod(s)) for s in shapes]
    x_flat = jnp.concatenate([token_dict[k].reshape(-1) for k in keys], 0)
    everything_embedded = jnp.take(embedding, x_flat, axis=0)
    embed_split = jnp.split(everything_embedded, np.cumsum(n_elems), axis=0)
    out_dict = {}
    for k_i, s_i, v_i in zip(keys, shapes, embed_split):
        out_dict[k_i] = v_i.reshape(list(s_i) + [HIDDEN])
    return out_dict["tokens"]

if __name__ == "__main__":
    import jax
    _d = setup_inputs()
    print(jax.jit(kernel)(*tuple(_d.values())))

</pallas_src>

<mosaic_0001>
#map = affine_map<(d0, d1) -> (0, 0, 0)>
#map1 = affine_map<(d0, d1) -> (0, 0)>
module attributes {stable_mosaic.version = 14 : i64} {
  func.func @_embed_body(%arg0: i32, %arg1: i32, %arg2: memref<32x64x16xi32, #tpu.memory_space<hbm>>, %arg3: memref<32768x1024xf32, #tpu.memory_space<hbm>>, %arg4: memref<32768x1024xf32, #tpu.memory_space<hbm>>, %arg5: memref<64x16xi32, #tpu.memory_space<vmem>>, %arg6: memref<16x1024xf32, #tpu.memory_space<vmem>>, %arg7: memref<16x1024xf32, #tpu.memory_space<vmem>>, %arg8: memref<16x1024xf32, #tpu.memory_space<vmem>>, %arg9: memref<16x1024xf32, #tpu.memory_space<vmem>>, %arg10: memref<16x1024xf32, #tpu.memory_space<vmem>>, %arg11: memref<16x1024xf32, #tpu.memory_space<vmem>>, %arg12: memref<!tpu.dma_semaphore, #tpu.memory_space<semaphore_mem>>, %arg13: memref<!tpu.dma_semaphore, #tpu.memory_space<semaphore_mem>>, %arg14: memref<!tpu.dma_semaphore, #tpu.memory_space<semaphore_mem>>, %arg15: memref<!tpu.dma_semaphore, #tpu.memory_space<semaphore_mem>>, %arg16: memref<!tpu.dma_semaphore, #tpu.memory_space<semaphore_mem>>, %arg17: memref<!tpu.dma_semaphore, #tpu.memory_space<semaphore_mem>>, %arg18: memref<!tpu.dma_semaphore, #tpu.memory_space<semaphore_mem>>, %arg19: memref<!tpu.dma_semaphore, #tpu.memory_space<semaphore_mem>>, %arg20: memref<!tpu.dma_semaphore, #tpu.memory_space<semaphore_mem>>, %arg21: memref<!tpu.dma_semaphore, #tpu.memory_space<semaphore_mem>>, %arg22: memref<!tpu.dma_semaphore, #tpu.memory_space<semaphore_mem>>, %arg23: memref<!tpu.dma_semaphore, #tpu.memory_space<semaphore_mem>>) attributes {dimension_semantics = [#tpu.dimension_semantics<core_parallel>, #tpu.dimension_semantics<subcore_parallel>], iteration_bounds = array<i64: 2, 16>, scalar_prefetch = 0 : i64, scratch_operands = 19 : i64, tpu.core_type = #tpu.core_type<sc_vector_subcore>, window_params = [{transform_indices = #map}, {transform_indices = #map1}, {transform_indices = #map1}]} {
    %mul3A = arith.constant 2 : i32
    %mul3A_0 = arith.muli %arg1, %mul3A : i32
    %add3A = arith.addi %mul3A_0, %arg0 : i32
    %mul3A_1 = arith.constant 1024 : i32
    %mul3A_2 = arith.muli %add3A, %mul3A_1 : i32
    "tpu.region"() ({
      %run_scoped3A = tpu.sem_alloc : memref<!tpu.dma_semaphore, #tpu.memory_space<semaphore_mem>>
      %dma_start3A_422 = arith.constant 0 : i32
      %dma_start3A_423 = arith.constant 0 : i32
      %dma_start3A_424 = tpu.memref_slice %arg2[%add3A, %dma_start3A_422, %dma_start3A_423] : memref<32x64x16xi32, #tpu.memory_space<hbm>> -> memref<1x64x16xi32, #tpu.memory_space<hbm>>
      %dma_start3A_425 = tpu.memref_squeeze %dma_start3A_424 : memref<1x64x16xi32, #tpu.memory_space<hbm>> -> memref<64x16xi32, #tpu.memory_space<hbm>>
      %dma_start3A_426 = arith.constant 0 : i32
      %dma_start3A_427 = arith.constant 0 : i32
      %dma_start3A_428 = tpu.memref_slice %arg2[%add3A, %dma_start3A_426, %dma_start3A_427] : memref<32x64x16xi32, #tpu.memory_space<hbm>> -> memref<1x64x16xi32, #tpu.memory_space<hbm>>
      %dma_start3A_429 = tpu.memref_squeeze %dma_start3A_428 : memref<1x64x16xi32, #tpu.memory_space<hbm>> -> memref<64x16xi32, #tpu.memory_space<hbm>>
      tpu.enqueue_dma source(%dma_start3A_429 : memref<64x16xi32, #tpu.memory_space<hbm>>) target(%arg5 : memref<64x16xi32, #tpu.memory_space<vmem>>) target_semaphore(%run_scoped3A : memref<!tpu.dma_semaphore, #tpu.memory_space<semaphore_mem>>)
      %dma_wait3A_430 = arith.constant 0 : i32
      %dma_wait3A_431 = arith.constant 0 : i32
      %dma_wait3A_432 = tpu.memref_slice %arg2[%add3A, %dma_wait3A_430, %dma_wait3A_431] : memref<32x64x16xi32, #tpu.memory_space<hbm>> -> memref<1x64x16xi32, #tpu.memory_space<hbm>>
      %dma_wait3A_433 = tpu.memref_squeeze %dma_wait3A_432 : memref<1x64x16xi32, #tpu.memory_space<hbm>> -> memref<64x16xi32, #tpu.memory_space<hbm>>
      %dma_wait3A_434 = arith.constant 0 : i32
      %dma_wait3A_435 = arith.constant 0 : i32
      %dma_wait3A_436 = tpu.memref_slice %arg2[%add3A, %dma_wait3A_434, %dma_wait3A_435] : memref<32x64x16xi32, #tpu.memory_space<hbm>> -> memref<1x64x16xi32, #tpu.memory_space<hbm>>
      %dma_wait3A_437 = tpu.memref_squeeze %dma_wait3A_436 : memref<1x64x16xi32, #tpu.memory_space<hbm>> -> memref<64x16xi32, #tpu.memory_space<hbm>>
      tpu.wait_dma2 semaphore(%run_scoped3A : memref<!tpu.dma_semaphore, #tpu.memory_space<semaphore_mem>>) src(%dma_wait3A_437 : memref<64x16xi32, #tpu.memory_space<hbm>>) dst(%arg5 : memref<64x16xi32, #tpu.memory_space<vmem>>)
      tpu.yield
    }) : () -> ()
    %dma_start3A = arith.constant 0 : i32
    %dma_start3A_3 = arith.constant 0 : i32
    %dma_start3A_4 = tpu.memref_slice %arg5[%dma_start3A, %dma_start3A_3] : memref<64x16xi32, #tpu.memory_space<vmem>> -> memref<1x16xi32, #tpu.memory_space<vmem>>
    %dma_start3A_5 = tpu.memref_squeeze %dma_start3A_4 : memref<1x16xi32, #tpu.memory_space<vmem>> -> memref<16xi32, #tpu.memory_space<vmem>>
    %dma_start3A_6 = arith.constant 0 : i32
    %dma_start3A_7 = arith.constant 0 : i32
    %dma_start3A_8 = tpu.memref_slice %arg3[%dma_start3A_6, %dma_start3A_7] : memref<32768x1024xf32, #tpu.memory_space<hbm>> -> memref<32768x1024xf32, #tpu.memory_space<hbm>>
    tpu.enqueue_indirect_dma source(%dma_start3A_8 : memref<32768x1024xf32, #tpu.memory_space<hbm>>) target(%arg6 : memref<16x1024xf32, #tpu.memory_space<vmem>>) offsets(%dma_start3A_5 : memref<16xi32, #tpu.memory_space<vmem>>) semaphore(%arg12 : memref<!tpu.dma_semaphore, #tpu.memory_space<semaphore_mem>>)
    %dma_start3A_9 = arith.constant 1 : i32
    %dma_start3A_10 = arith.constant 0 : i32
    %dma_start3A_11 = tpu.memref_slice %arg5[%dma_start3A_9, %dma_start3A_10] : memref<64x16xi32, #tpu.memory_space<vmem>> -> memref<1x16xi32, #tpu.memory_space<vmem>>
    %dma_start3A_12 = tpu.memref_squeeze %dma_start3A_11 : memref<1x16xi32, #tpu.memory_space<vmem>> -> memref<16xi32, #tpu.memory_space<vmem>>
    %dma_start3A_13 = arith.constant 0 : i32
    %dma_start3A_14 = arith.constant 0 : i32
    %dma_start3A_15 = tpu.memref_slice %arg3[%dma_start3A_13, %dma_start3A_14] : memref<32768x1024xf32, #tpu.memory_space<hbm>> -> memref<32768x1024xf32, #tpu.memory_space<hbm>>
    tpu.enqueue_indirect_dma source(%dma_start3A_15 : memref<32768x1024xf32, #tpu.memory_space<hbm>>) target(%arg7 : memref<16x1024xf32, #tpu.memory_space<vmem>>) offsets(%dma_start3A_12 : memref<16xi32, #tpu.memory_space<vmem>>) semaphore(%arg13 : memref<!tpu.dma_semaphore, #tpu.memory_space<semaphore_mem>>)
    %dma_start3A_16 = arith.constant 2 : i32
    %dma_start3A_17 = arith.constant 0 : i32
    %dma_start3A_18 = tpu.memref_slice %arg5[%dma_start3A_16, %dma_start3A_17] : memref<64x16xi32, #tpu.memory_space<vmem>> -> memref<1x16xi32, #tpu.memory_space<vmem>>
    %dma_start3A_19 = tpu.memref_squeeze %dma_start3A_18 : memref<1x16xi32, #tpu.memory_space<vmem>> -> memref<16xi32, #tpu.memory_space<vmem>>
    %dma_start3A_20 = arith.constant 0 : i32
    %dma_start3A_21 = arith.constant 0 : i32
    %dma_start3A_22 = tpu.memref_slice %arg3[%dma_start3A_20, %dma_start3A_21] : memref<32768x1024xf32, #tpu.memory_space<hbm>> -> memref<32768x1024xf32, #tpu.memory_space<hbm>>
    tpu.enqueue_indirect_dma source(%dma_start3A_22 : memref<32768x1024xf32, #tpu.memory_space<hbm>>) target(%arg8 : memref<16x1024xf32, #tpu.memory_space<vmem>>) offsets(%dma_start3A_19 : memref<16xi32, #tpu.memory_space<vmem>>) semaphore(%arg14 : memref<!tpu.dma_semaphore, #tpu.memory_space<semaphore_mem>>)
    %dma_start3A_23 = arith.constant 3 : i32
    %dma_start3A_24 = arith.constant 0 : i32
    %dma_start3A_25 = tpu.memref_slice %arg5[%dma_start3A_23, %dma_start3A_24] : memref<64x16xi32, #tpu.memory_space<vmem>> -> memref<1x16xi32, #tpu.memory_space<vmem>>
    %dma_start3A_26 = tpu.memref_squeeze %dma_start3A_25 : memref<1x16xi32, #tpu.memory_space<vmem>> -> memref<16xi32, #tpu.memory_space<vmem>>
    %dma_start3A_27 = arith.constant 0 : i32
    %dma_start3A_28 = arith.constant 0 : i32
    %dma_start3A_29 = tpu.memref_slice %arg3[%dma_start3A_27, %dma_start3A_28] : memref<32768x1024xf32, #tpu.memory_space<hbm>> -> memref<32768x1024xf32, #tpu.memory_space<hbm>>
    tpu.enqueue_indirect_dma source(%dma_start3A_29 : memref<32768x1024xf32, #tpu.memory_space<hbm>>) target(%arg9 : memref<16x1024xf32, #tpu.memory_space<vmem>>) offsets(%dma_start3A_26 : memref<16xi32, #tpu.memory_space<vmem>>) semaphore(%arg15 : memref<!tpu.dma_semaphore, #tpu.memory_space<semaphore_mem>>)
    %dma_start3A_30 = arith.constant 4 : i32
    %dma_start3A_31 = arith.constant 0 : i32
    %dma_start3A_32 = tpu.memref_slice %arg5[%dma_start3A_30, %dma_start3A_31] : memref<64x16xi32, #tpu.memory_space<vmem>> -> memref<1x16xi32, #tpu.memory_space<vmem>>
    %dma_start3A_33 = tpu.memref_squeeze %dma_start3A_32 : memref<1x16xi32, #tpu.memory_space<vmem>> -> memref<16xi32, #tpu.memory_space<vmem>>
    %dma_start3A_34 = arith.constant 0 : i32
    %dma_start3A_35 = arith.constant 0 : i32
    %dma_start3A_36 = tpu.memref_slice %arg3[%dma_start3A_34, %dma_start3A_35] : memref<32768x1024xf32, #tpu.memory_space<hbm>> -> memref<32768x1024xf32, #tpu.memory_space<hbm>>
    tpu.enqueue_indirect_dma source(%dma_start3A_36 : memref<32768x1024xf32, #tpu.memory_space<hbm>>) target(%arg10 : memref<16x1024xf32, #tpu.memory_space<vmem>>) offsets(%dma_start3A_33 : memref<16xi32, #tpu.memory_space<vmem>>) semaphore(%arg16 : memref<!tpu.dma_semaphore, #tpu.memory_space<semaphore_mem>>)
    %dma_start3A_37 = arith.constant 5 : i32
    %dma_start3A_38 = arith.constant 0 : i32
    %dma_start3A_39 = tpu.memref_slice %arg5[%dma_start3A_37, %dma_start3A_38] : memref<64x16xi32, #tpu.memory_space<vmem>> -> memref<1x16xi32, #tpu.memory_space<vmem>>
    %dma_start3A_40 = tpu.memref_squeeze %dma_start3A_39 : memref<1x16xi32, #tpu.memory_space<vmem>> -> memref<16xi32, #tpu.memory_space<vmem>>
    %dma_start3A_41 = arith.constant 0 : i32
    %dma_start3A_42 = arith.constant 0 : i32
    %dma_start3A_43 = tpu.memref_slice %arg3[%dma_start3A_41, %dma_start3A_42] : memref<32768x1024xf32, #tpu.memory_space<hbm>> -> memref<32768x1024xf32, #tpu.memory_space<hbm>>
    tpu.enqueue_indirect_dma source(%dma_start3A_43 : memref<32768x1024xf32, #tpu.memory_space<hbm>>) target(%arg11 : memref<16x1024xf32, #tpu.memory_space<vmem>>) offsets(%dma_start3A_40 : memref<16xi32, #tpu.memory_space<vmem>>) semaphore(%arg17 : memref<!tpu.dma_semaphore, #tpu.memory_space<semaphore_mem>>)
    %dma_wait3A = arith.constant 0 : i32
    %dma_wait3A_44 = arith.constant 0 : i32
    %dma_wait3A_45 = tpu.memref_slice %arg5[%dma_wait3A, %dma_wait3A_44] : memref<64x16xi32, #tpu.memory_space<vmem>> -> memref<1x16xi32, #tpu.memory_space<vmem>>
    %dma_wait3A_46 = tpu.memref_squeeze %dma_wait3A_45 : memref<1x16xi32, #tpu.memory_space<vmem>> -> memref<16xi32, #tpu.memory_space<vmem>>
    %dma_wait3A_47 = arith.constant 0 : i32
    %dma_wait3A_48 = arith.constant 0 : i32
    %dma_wait3A_49 = tpu.memref_slice %arg3[%dma_wait3A_47, %dma_wait3A_48] : memref<32768x1024xf32, #tpu.memory_space<hbm>> -> memref<32768x1024xf32, #tpu.memory_space<hbm>>
    tpu.wait_indirect_dma semaphore(%arg12 : memref<!tpu.dma_semaphore, #tpu.memory_space<semaphore_mem>>) src(%dma_wait3A_49 : memref<32768x1024xf32, #tpu.memory_space<hbm>>) dst(%arg6 : memref<16x1024xf32, #tpu.memory_space<vmem>>)
    %add3A_50 = arith.constant 0 : i32
    %add3A_51 = arith.addi %mul3A_2, %add3A_50 : i32
    %dma_start3A_52 = arith.constant 0 : i32
    %dma_start3A_53 = tpu.memref_slice %arg4[%add3A_51, %dma_start3A_52] : memref<32768x1024xf32, #tpu.memory_space<hbm>> -> memref<16x1024xf32, #tpu.memory_space<hbm>>
    %dma_start3A_54 = arith.constant 0 : i32
    %dma_start3A_55 = tpu.memref_slice %arg4[%add3A_51, %dma_start3A_54] : memref<32768x1024xf32, #tpu.memory_space<hbm>> -> memref<16x1024xf32, #tpu.memory_space<hbm>>
    tpu.enqueue_dma source(%arg6 : memref<16x1024xf32, #tpu.memory_space<vmem>>) target(%dma_start3A_55 : memref<16x1024xf32, #tpu.memory_space<hbm>>) target_semaphore(%arg18 : memref<!tpu.dma_semaphore, #tpu.memory_space<semaphore_mem>>)
    %dma_wait3A_56 = arith.constant 1 : i32
    %dma_wait3A_57 = arith.constant 0 : i32
    %dma_wait3A_58 = tpu.memref_slice %arg5[%dma_wait3A_56, %dma_wait3A_57] : memref<64x16xi32, #tpu.memory_space<vmem>> -> memref<1x16xi32, #tpu.memory_space<vmem>>
    %dma_wait3A_59 = tpu.memref_squeeze %dma_wait3A_58 : memref<1x16xi32, #tpu.memory_space<vmem>> -> memref<16xi32, #tpu.memory_space<vmem>>
    %dma_wait3A_60 = arith.constant 0 : i32
    %dma_wait3A_61 = arith.constant 0 : i32
    %dma_wait3A_62 = tpu.memref_slice %arg3[%dma_wait3A_60, %dma_wait3A_61] : memref<32768x1024xf32, #tpu.memory_space<hbm>> -> memref<32768x1024xf32, #tpu.memory_space<hbm>>
    tpu.wait_indirect_dma semaphore(%arg13 : memref<!tpu.dma_semaphore, #tpu.memory_space<semaphore_mem>>) src(%dma_wait3A_62 : memref<32768x1024xf32, #tpu.memory_space<hbm>>) dst(%arg7 : memref<16x1024xf32, #tpu.memory_space<vmem>>)
    %add3A_63 = arith.constant 16 : i32
    %add3A_64 = arith.addi %mul3A_2, %add3A_63 : i32
    %dma_start3A_65 = arith.constant 0 : i32
    %dma_start3A_66 = tpu.memref_slice %arg4[%add3A_64, %dma_start3A_65] : memref<32768x1024xf32, #tpu.memory_space<hbm>> -> memref<16x1024xf32, #tpu.memory_space<hbm>>
    %dma_start3A_67 = arith.constant 0 : i32
    %dma_start3A_68 = tpu.memref_slice %arg4[%add3A_64, %dma_start3A_67] : memref<32768x1024xf32, #tpu.memory_space<hbm>> -> memref<16x1024xf32, #tpu.memory_space<hbm>>
    tpu.enqueue_dma source(%arg7 : memref<16x1024xf32, #tpu.memory_space<vmem>>) target(%dma_start3A_68 : memref<16x1024xf32, #tpu.memory_space<hbm>>) target_semaphore(%arg19 : memref<!tpu.dma_semaphore, #tpu.memory_space<semaphore_mem>>)
    %add3A_69 = arith.constant 0 : i32
    %add3A_70 = arith.addi %mul3A_2, %add3A_69 : i32
    %dma_wait3A_71 = arith.constant 0 : i32
    %dma_wait3A_72 = tpu.memref_slice %arg4[%add3A_70, %dma_wait3A_71] : memref<32768x1024xf32, #tpu.memory_space<hbm>> -> memref<16x1024xf32, #tpu.memory_space<hbm>>
    %dma_wait3A_73 = arith.constant 0 : i32
    %dma_wait3A_74 = tpu.memref_slice %arg4[%add3A_70, %dma_wait3A_73] : memref<32768x1024xf32, #tpu.memory_space<hbm>> -> memref<16x1024xf32, #tpu.memory_space<hbm>>
    tpu.wait_dma2 semaphore(%arg18 : memref<!tpu.dma_semaphore, #tpu.memory_space<semaphore_mem>>) src(%arg6 : memref<16x1024xf32, #tpu.memory_space<vmem>>) dst(%dma_wait3A_74 : memref<16x1024xf32, #tpu.memory_space<hbm>>)
    %dma_start3A_75 = arith.constant 6 : i32
    %dma_start3A_76 = arith.constant 0 : i32
    %dma_start3A_77 = tpu.memref_slice %arg5[%dma_start3A_75, %dma_start3A_76] : memref<64x16xi32, #tpu.memory_space<vmem>> -> memref<1x16xi32, #tpu.memory_space<vmem>>
    %dma_start3A_78 = tpu.memref_squeeze %dma_start3A_77 : memref<1x16xi32, #tpu.memory_space<vmem>> -> memref<16xi32, #tpu.memory_space<vmem>>
    %dma_start3A_79 = arith.constant 0 : i32
    %dma_start3A_80 = arith.constant 0 : i32
    %dma_start3A_81 = tpu.memref_slice %arg3[%dma_start3A_79, %dma_start3A_80] : memref<32768x1024xf32, #tpu.memory_space<hbm>> -> memref<32768x1024xf32, #tpu.memory_space<hbm>>
    tpu.enqueue_indirect_dma source(%dma_start3A_81 : memref<32768x1024xf32, #tpu.memory_space<hbm>>) target(%arg6 : memref<16x1024xf32, #tpu.memory_space<vmem>>) offsets(%dma_start3A_78 : memref<16xi32, #tpu.memory_space<vmem>>) semaphore(%arg12 : memref<!tpu.dma_semaphore, #tpu.memory_space<semaphore_mem>>)
    %dma_wait3A_82 = arith.constant 2 : i32
    %dma_wait3A_83 = arith.constant 0 : i32
    %dma_wait3A_84 = tpu.memref_slice %arg5[%dma_wait3A_82, %dma_wait3A_83] : memref<64x16xi32, #tpu.memory_space<vmem>> -> memref<1x16xi32, #tpu.memory_space<vmem>>
    %dma_wait3A_85 = tpu.memref_squeeze %dma_wait3A_84 : memref<1x16xi32, #tpu.memory_space<vmem>> -> memref<16xi32, #tpu.memory_space<vmem>>
    %dma_wait3A_86 = arith.constant 0 : i32
    %dma_wait3A_87 = arith.constant 0 : i32
    %dma_wait3A_88 = tpu.memref_slice %arg3[%dma_wait3A_86, %dma_wait3A_87] : memref<32768x1024xf32, #tpu.memory_space<hbm>> -> memref<32768x1024xf32, #tpu.memory_space<hbm>>
    tpu.wait_indirect_dma semaphore(%arg14 : memref<!tpu.dma_semaphore, #tpu.memory_space<semaphore_mem>>) src(%dma_wait3A_88 : memref<32768x1024xf32, #tpu.memory_space<hbm>>) dst(%arg8 : memref<16x1024xf32, #tpu.memory_space<vmem>>)
    %add3A_89 = arith.constant 32 : i32
    %add3A_90 = arith.addi %mul3A_2, %add3A_89 : i32
    %dma_start3A_91 = arith.constant 0 : i32
    %dma_start3A_92 = tpu.memref_slice %arg4[%add3A_90, %dma_start3A_91] : memref<32768x1024xf32, #tpu.memory_space<hbm>> -> memref<16x1024xf32, #tpu.memory_space<hbm>>
    %dma_start3A_93 = arith.constant 0 : i32
    %dma_start3A_94 = tpu.memref_slice %arg4[%add3A_90, %dma_start3A_93] : memref<32768x1024xf32, #tpu.memory_space<hbm>> -> memref<16x1024xf32, #tpu.memory_space<hbm>>
    tpu.enqueue_dma source(%arg8 : memref<16x1024xf32, #tpu.memory_space<vmem>>) target(%dma_start3A_94 : memref<16x1024xf32, #tpu.memory_space<hbm>>) target_semaphore(%arg20 : memref<!tpu.dma_semaphore, #tpu.memory_space<semaphore_mem>>)
    %add3A_95 = arith.constant 16 : i32
    %add3A_96 = arith.addi %mul3A_2, %add3A_95 : i32
    %dma_wait3A_97 = arith.constant 0 : i32
    %dma_wait3A_98 = tpu.memref_slice %arg4[%add3A_96, %dma_wait3A_97] : memref<32768x1024xf32, #tpu.memory_space<hbm>> -> memref<16x1024xf32, #tpu.memory_space<hbm>>
    %dma_wait3A_99 = arith.constant 0 : i32
    %dma_wait3A_100 = tpu.memref_slice %arg4[%add3A_96, %dma_wait3A_99] : memref<32768x1024xf32, #tpu.memory_space<hbm>> -> memref<16x1024xf32, #tpu.memory_space<hbm>>
    tpu.wait_dma2 semaphore(%arg19 : memref<!tpu.dma_semaphore, #tpu.memory_space<semaphore_mem>>) src(%arg7 : memref<16x1024xf32, #tpu.memory_space<vmem>>) dst(%dma_wait3A_100 : memref<16x1024xf32, #tpu.memory_space<hbm>>)
    %dma_start3A_101 = arith.constant 7 : i32
    %dma_start3A_102 = arith.constant 0 : i32
    %dma_start3A_103 = tpu.memref_slice %arg5[%dma_start3A_101, %dma_start3A_102] : memref<64x16xi32, #tpu.memory_space<vmem>> -> memref<1x16xi32, #tpu.memory_space<vmem>>
    %dma_start3A_104 = tpu.memref_squeeze %dma_start3A_103 : memref<1x16xi32, #tpu.memory_space<vmem>> -> memref<16xi32, #tpu.memory_space<vmem>>
    %dma_start3A_105 = arith.constant 0 : i32
    %dma_start3A_106 = arith.constant 0 : i32
    %dma_start3A_107 = tpu.memref_slice %arg3[%dma_start3A_105, %dma_start3A_106] : memref<32768x1024xf32, #tpu.memory_space<hbm>> -> memref<32768x1024xf32, #tpu.memory_space<hbm>>
    tpu.enqueue_indirect_dma source(%dma_start3A_107 : memref<32768x1024xf32, #tpu.memory_space<hbm>>) target(%arg7 : memref<16x1024xf32, #tpu.memory_space<vmem>>) offsets(%dma_start3A_104 : memref<16xi32, #tpu.memory_space<vmem>>) semaphore(%arg13 : memref<!tpu.dma_semaphore, #tpu.memory_space<semaphore_mem>>)
    %dma_wait3A_108 = arith.constant 3 : i32
    %dma_wait3A_109 = arith.constant 0 : i32
    %dma_wait3A_110 = tpu.memref_slice %arg5[%dma_wait3A_108, %dma_wait3A_109] : memref<64x16xi32, #tpu.memory_space<vmem>> -> memref<1x16xi32, #tpu.memory_space<vmem>>
    %dma_wait3A_111 = tpu.memref_squeeze %dma_wait3A_110 : memref<1x16xi32, #tpu.memory_space<vmem>> -> memref<16xi32, #tpu.memory_space<vmem>>
    %dma_wait3A_112 = arith.constant 0 : i32
    %dma_wait3A_113 = arith.constant 0 : i32
    %dma_wait3A_114 = tpu.memref_slice %arg3[%dma_wait3A_112, %dma_wait3A_113] : memref<32768x1024xf32, #tpu.memory_space<hbm>> -> memref<32768x1024xf32, #tpu.memory_space<hbm>>
    tpu.wait_indirect_dma semaphore(%arg15 : memref<!tpu.dma_semaphore, #tpu.memory_space<semaphore_mem>>) src(%dma_wait3A_114 : memref<32768x1024xf32, #tpu.memory_space<hbm>>) dst(%arg9 : memref<16x1024xf32, #tpu.memory_space<vmem>>)
    %add3A_115 = arith.constant 48 : i32
    %add3A_116 = arith.addi %mul3A_2, %add3A_115 : i32
    %dma_start3A_117 = arith.constant 0 : i32
    %dma_start3A_118 = tpu.memref_slice %arg4[%add3A_116, %dma_start3A_117] : memref<32768x1024xf32, #tpu.memory_space<hbm>> -> memref<16x1024xf32, #tpu.memory_space<hbm>>
    %dma_start3A_119 = arith.constant 0 : i32
    %dma_start3A_120 = tpu.memref_slice %arg4[%add3A_116, %dma_start3A_119] : memref<32768x1024xf32, #tpu.memory_space<hbm>> -> memref<16x1024xf32, #tpu.memory_space<hbm>>
    tpu.enqueue_dma source(%arg9 : memref<16x1024xf32, #tpu.memory_space<vmem>>) target(%dma_start3A_120 : memref<16x1024xf32, #tpu.memory_space<hbm>>) target_semaphore(%arg21 : memref<!tpu.dma_semaphore, #tpu.memory_space<semaphore_mem>>)
    %add3A_121 = arith.constant 32 : i32
    %add3A_122 = arith.addi %mul3A_2, %add3A_121 : i32
    %dma_wait3A_123 = arith.constant 0 : i32
    %dma_wait3A_124 = tpu.memref_slice %arg4[%add3A_122, %dma_wait3A_123] : memref<32768x1024xf32, #tpu.memory_space<hbm>> -> memref<16x1024xf32, #tpu.memory_space<hbm>>
    %dma_wait3A_125 = arith.constant 0 : i32
    %dma_wait3A_126 = tpu.memref_slice %arg4[%add3A_122, %dma_wait3A_125] : memref<32768x1024xf32, #tpu.memory_space<hbm>> -> memref<16x1024xf32, #tpu.memory_space<hbm>>
    tpu.wait_dma2 semaphore(%arg20 : memref<!tpu.dma_semaphore, #tpu.memory_space<semaphore_mem>>) src(%arg8 : memref<16x1024xf32, #tpu.memory_space<vmem>>) dst(%dma_wait3A_126 : memref<16x1024xf32, #tpu.memory_space<hbm>>)
    %dma_start3A_127 = arith.constant 8 : i32
    %dma_start3A_128 = arith.constant 0 : i32
    %dma_start3A_129 = tpu.memref_slice %arg5[%dma_start3A_127, %dma_start3A_128] : memref<64x16xi32, #tpu.memory_space<vmem>> -> memref<1x16xi32, #tpu.memory_space<vmem>>
    %dma_start3A_130 = tpu.memref_squeeze %dma_start3A_129 : memref<1x16xi32, #tpu.memory_space<vmem>> -> memref<16xi32, #tpu.memory_space<vmem>>
    %dma_start3A_131 = arith.constant 0 : i32
    %dma_start3A_132 = arith.constant 0 : i32
    %dma_start3A_133 = tpu.memref_slice %arg3[%dma_start3A_131, %dma_start3A_132] : memref<32768x1024xf32, #tpu.memory_space<hbm>> -> memref<32768x1024xf32, #tpu.memory_space<hbm>>
    tpu.enqueue_indirect_dma source(%dma_start3A_133 : memref<32768x1024xf32, #tpu.memory_space<hbm>>) target(%arg8 : memref<16x1024xf32, #tpu.memory_space<vmem>>) offsets(%dma_start3A_130 : memref<16xi32, #tpu.memory_space<vmem>>) semaphore(%arg14 : memref<!tpu.dma_semaphore, #tpu.memory_space<semaphore_mem>>)
    %dma_wait3A_134 = arith.constant 4 : i32
    %dma_wait3A_135 = arith.constant 0 : i32
    %dma_wait3A_136 = tpu.memref_slice %arg5[%dma_wait3A_134, %dma_wait3A_135] : memref<64x16xi32, #tpu.memory_space<vmem>> -> memref<1x16xi32, #tpu.memory_space<vmem>>
    %dma_wait3A_137 = tpu.memref_squeeze %dma_wait3A_136 : memref<1x16xi32, #tpu.memory_space<vmem>> -> memref<16xi32, #tpu.memory_space<vmem>>
    %dma_wait3A_138 = arith.constant 0 : i32
    %dma_wait3A_139 = arith.constant 0 : i32
    %dma_wait3A_140 = tpu.memref_slice %arg3[%dma_wait3A_138, %dma_wait3A_139] : memref<32768x1024xf32, #tpu.memory_space<hbm>> -> memref<32768x1024xf32, #tpu.memory_space<hbm>>
    tpu.wait_indirect_dma semaphore(%arg16 : memref<!tpu.dma_semaphore, #tpu.memory_space<semaphore_mem>>) src(%dma_wait3A_140 : memref<32768x1024xf32, #tpu.memory_space<hbm>>) dst(%arg10 : memref<16x1024xf32, #tpu.memory_space<vmem>>)
    %add3A_141 = arith.constant 64 : i32
    %add3A_142 = arith.addi %mul3A_2, %add3A_141 : i32
    %dma_start3A_143 = arith.constant 0 : i32
    %dma_start3A_144 = tpu.memref_slice %arg4[%add3A_142, %dma_start3A_143] : memref<32768x1024xf32, #tpu.memory_space<hbm>> -> memref<16x1024xf32, #tpu.memory_space<hbm>>
    %dma_start3A_145 = arith.constant 0 : i32
    %dma_start3A_146 = tpu.memref_slice %arg4[%add3A_142, %dma_start3A_145] : memref<32768x1024xf32, #tpu.memory_space<hbm>> -> memref<16x1024xf32, #tpu.memory_space<hbm>>
    tpu.enqueue_dma source(%arg10 : memref<16x1024xf32, #tpu.memory_space<vmem>>) target(%dma_start3A_146 : memref<16x1024xf32, #tpu.memory_space<hbm>>) target_semaphore(%arg22 : memref<!tpu.dma_semaphore, #tpu.memory_space<semaphore_mem>>)
    %add3A_147 = arith.constant 48 : i32
    %add3A_148 = arith.addi %mul3A_2, %add3A_147 : i32
    %dma_wait3A_149 = arith.constant 0 : i32
    %dma_wait3A_150 = tpu.memref_slice %arg4[%add3A_148, %dma_wait3A_149] : memref<32768x1024xf32, #tpu.memory_space<hbm>> -> memref<16x1024xf32, #tpu.memory_space<hbm>>
    %dma_wait3A_151 = arith.constant 0 : i32
    %dma_wait3A_152 = tpu.memref_slice %arg4[%add3A_148, %dma_wait3A_151] : memref<32768x1024xf32, #tpu.memory_space<hbm>> -> memref<16x1024xf32, #tpu.memory_space<hbm>>
    tpu.wait_dma2 semaphore(%arg21 : memref<!tpu.dma_semaphore, #tpu.memory_space<semaphore_mem>>) src(%arg9 : memref<16x1024xf32, #tpu.memory_space<vmem>>) dst(%dma_wait3A_152 : memref<16x1024xf32, #tpu.memory_space<hbm>>)
    %dma_start3A_153 = arith.constant 9 : i32
    %dma_start3A_154 = arith.constant 0 : i32
    %dma_start3A_155 = tpu.memref_slice %arg5[%dma_start3A_153, %dma_start3A_154] : memref<64x16xi32, #tpu.memory_space<vmem>> -> memref<1x16xi32, #tpu.memory_space<vmem>>
    %dma_start3A_156 = tpu.memref_squeeze %dma_start3A_155 : memref<1x16xi32, #tpu.memory_space<vmem>> -> memref<16xi32, #tpu.memory_space<vmem>>
    %dma_start3A_157 = arith.constant 0 : i32
    %dma_start3A_158 = arith.constant 0 : i32
    %dma_start3A_159 = tpu.memref_slice %arg3[%dma_start3A_157, %dma_start3A_158] : memref<32768x1024xf32, #tpu.memory_space<hbm>> -> memref<32768x1024xf32, #tpu.memory_space<hbm>>
    tpu.enqueue_indirect_dma source(%dma_start3A_159 : memref<32768x1024xf32, #tpu.memory_space<hbm>>) target(%arg9 : memref<16x1024xf32, #tpu.memory_space<vmem>>) offsets(%dma_start3A_156 : memref<16xi32, #tpu.memory_space<vmem>>) semaphore(%arg15 : memref<!tpu.dma_semaphore, #tpu.memory_space<semaphore_mem>>)
    %dma_wait3A_160 = arith.constant 5 : i32
    %dma_wait3A_161 = arith.constant 0 : i32
    %dma_wait3A_162 = tpu.memref_slice %arg5[%dma_wait3A_160, %dma_wait3A_161] : memref<64x16xi32, #tpu.memory_space<vmem>> -> memref<1x16xi32, #tpu.memory_space<vmem>>
    %dma_wait3A_163 = tpu.memref_squeeze %dma_wait3A_162 : memref<1x16xi32, #tpu.memory_space<vmem>> -> memref<16xi32, #tpu.memory_space<vmem>>
    %dma_wait3A_164 = arith.constant 0 : i32
    %dma_wait3A_165 = arith.constant 0 : i32
    %dma_wait3A_166 = tpu.memref_slice %arg3[%dma_wait3A_164, %dma_wait3A_165] : memref<32768x1024xf32, #tpu.memory_space<hbm>> -> memref<32768x1024xf32, #tpu.memory_space<hbm>>
    tpu.wait_indirect_dma semaphore(%arg17 : memref<!tpu.dma_semaphore, #tpu.memory_space<semaphore_mem>>) src(%dma_wait3A_166 : memref<32768x1024xf32, #tpu.memory_space<hbm>>) dst(%arg11 : memref<16x1024xf32, #tpu.memory_space<vmem>>)
    %add3A_167 = arith.constant 80 : i32
    %add3A_168 = arith.addi %mul3A_2, %add3A_167 : i32
    %dma_start3A_169 = arith.constant 0 : i32
    %dma_start3A_170 = tpu.memref_slice %arg4[%add3A_168, %dma_start3A_169] : memref<32768x1024xf32, #tpu.memory_space<hbm>> -> memref<16x1024xf32, #tpu.memory_space<hbm>>
    %dma_start3A_171 = arith.constant 0 : i32
    %dma_start3A_172 = tpu.memref_slice %arg4[%add3A_168, %dma_start3A_171] : memref<32768x1024xf32, #tpu.memory_space<hbm>> -> memref<16x1024xf32, #tpu.memory_space<hbm>>
    tpu.enqueue_dma source(%arg11 : memref<16x1024xf32, #tpu.memory_space<vmem>>) target(%dma_start3A_172 : memref<16x1024xf32, #tpu.memory_space<hbm>>) target_semaphore(%arg23 : memref<!tpu.dma_semaphore, #tpu.memory_space<semaphore_mem>>)
    %add3A_173 = arith.constant 64 : i32
    %add3A_174 = arith.addi %mul3A_2, %add3A_173 : i32
    %dma_wait3A_175 = arith.constant 0 : i32
    %dma_wait3A_176 = tpu.memref_slice %arg4[%add3A_174, %dma_wait3A_175] : memref<32768x1024xf32, #tpu.memory_space<hbm>> -> memref<16x1024xf32, #tpu.memory_space<hbm>>
    %dma_wait3A_177 = arith.constant 0 : i32
    %dma_wait3A_178 = tpu.memref_slice %arg4[%add3A_174, %dma_wait3A_177] : memref<32768x1024xf32, #tpu.memory_space<hbm>> -> memref<16x1024xf32, #tpu.memory_space<hbm>>
    tpu.wait_dma2 semaphore(%arg22 : memref<!tpu.dma_semaphore, #tpu.memory_space<semaphore_mem>>) src(%arg10 : memref<16x1024xf32, #tpu.memory_space<vmem>>) dst(%dma_wait3A_178 : memref<16x1024xf32, #tpu.memory_space<hbm>>)
    %dma_start3A_179 = arith.constant 10 : i32
    %dma_start3A_180 = arith.constant 0 : i32
    %dma_start3A_181 = tpu.memref_slice %arg5[%dma_start3A_179, %dma_start3A_180] : memref<64x16xi32, #tpu.memory_space<vmem>> -> memref<1x16xi32, #tpu.memory_space<vmem>>
    %dma_start3A_182 = tpu.memref_squeeze %dma_start3A_181 : memref<1x16xi32, #tpu.memory_space<vmem>> -> memref<16xi32, #tpu.memory_space<vmem>>
    %dma_start3A_183 = arith.constant 0 : i32
    %dma_start3A_184 = arith.constant 0 : i32
    %dma_start3A_185 = tpu.memref_slice %arg3[%dma_start3A_183, %dma_start3A_184] : memref<32768x1024xf32, #tpu.memory_space<hbm>> -> memref<32768x1024xf32, #tpu.memory_space<hbm>>
    tpu.enqueue_indirect_dma source(%dma_start3A_185 : memref<32768x1024xf32, #tpu.memory_space<hbm>>) target(%arg10 : memref<16x1024xf32, #tpu.memory_space<vmem>>) offsets(%dma_start3A_182 : memref<16xi32, #tpu.memory_space<vmem>>) semaphore(%arg16 : memref<!tpu.dma_semaphore, #tpu.memory_space<semaphore_mem>>)
    %scan3A = arith.constant 0 : i32
    %scan3A_186 = arith.constant 1 : i32
    %scan3A_187 = arith.constant 8 : i32
    %scan3A_188 = arith.addi %scan3A_186, %scan3A_187 : i32
    %scan3A_189 = arith.constant 1 : i32
    scf.for %scan3A_422 = %scan3A_186 to %scan3A_188 step %scan3A_189  : i32 {
      %mul3A_423 = arith.constant 6 : i32
      %mul3A_424 = arith.muli %scan3A_422, %mul3A_423 : i32
      %add3A_425 = arith.constant 0 : i32
      %add3A_426 = arith.addi %mul3A_424, %add3A_425 : i32
      %dma_wait3A_427 = arith.constant 0 : i32
      %dma_wait3A_428 = tpu.memref_slice %arg5[%add3A_426, %dma_wait3A_427] : memref<64x16xi32, #tpu.memory_space<vmem>> -> memref<1x16xi32, #tpu.memory_space<vmem>>
      %dma_wait3A_429 = tpu.memref_squeeze %dma_wait3A_428 : memref<1x16xi32, #tpu.memory_space<vmem>> -> memref<16xi32, #tpu.memory_space<vmem>>
      %dma_wait3A_430 = arith.constant 0 : i32
      %dma_wait3A_431 = arith.constant 0 : i32
      %dma_wait3A_432 = tpu.memref_slice %arg3[%dma_wait3A_430, %dma_wait3A_431] : memref<32768x1024xf32, #tpu.memory_space<hbm>> -> memref<32768x1024xf32, #tpu.memory_space<hbm>>
      tpu.wait_indirect_dma semaphore(%arg12 : memref<!tpu.dma_semaphore, #tpu.memory_space<semaphore_mem>>) src(%dma_wait3A_432 : memref<32768x1024xf32, #tpu.memory_space<hbm>>) dst(%arg6 : memref<16x1024xf32, #tpu.memory_space<vmem>>)
      %mul3A_433 = arith.constant 16 : i32
      %mul3A_434 = arith.muli %add3A_426, %mul3A_433 : i32
      %add3A_435 = arith.addi %mul3A_2, %mul3A_434 : i32
      %dma_start3A_436 = arith.constant 0 : i32
      %dma_start3A_437 = tpu.memref_slice %arg4[%add3A_435, %dma_start3A_436] : memref<32768x1024xf32, #tpu.memory_space<hbm>> -> memref<16x1024xf32, #tpu.memory_space<hbm>>
      %dma_start3A_438 = arith.constant 0 : i32
      %dma_start3A_439 = tpu.memref_slice %arg4[%add3A_435, %dma_start3A_438] : memref<32768x1024xf32, #tpu.memory_space<hbm>> -> memref<16x1024xf32, #tpu.memory_space<hbm>>
      tpu.enqueue_dma source(%arg6 : memref<16x1024xf32, #tpu.memory_space<vmem>>) target(%dma_start3A_439 : memref<16x1024xf32, #tpu.memory_space<hbm>>) target_semaphore(%arg18 : memref<!tpu.dma_semaphore, #tpu.memory_space<semaphore_mem>>)
      %sub3A = arith.constant 1 : i32
      %sub3A_440 = arith.subi %add3A_426, %sub3A : i32
      %mul3A_441 = arith.constant 16 : i32
      %mul3A_442 = arith.muli %sub3A_440, %mul3A_441 : i32
      %add3A_443 = arith.addi %mul3A_2, %mul3A_442 : i32
      %dma_wait3A_444 = arith.constant 0 : i32
      %dma_wait3A_445 = tpu.memref_slice %arg4[%add3A_443, %dma_wait3A_444] : memref<32768x1024xf32, #tpu.memory_space<hbm>> -> memref<16x1024xf32, #tpu.memory_space<hbm>>
      %dma_wait3A_446 = arith.constant 0 : i32
      %dma_wait3A_447 = tpu.memref_slice %arg4[%add3A_443, %dma_wait3A_446] : memref<32768x1024xf32, #tpu.memory_space<hbm>> -> memref<16x1024xf32, #tpu.memory_space<hbm>>
      tpu.wait_dma2 semaphore(%arg23 : memref<!tpu.dma_semaphore, #tpu.memory_space<semaphore_mem>>) src(%arg11 : memref<16x1024xf32, #tpu.memory_space<vmem>>) dst(%dma_wait3A_447 : memref<16x1024xf32, #tpu.memory_space<hbm>>)
      %sub3A_448 = arith.constant 1 : i32
      %sub3A_449 = arith.subi %add3A_426, %sub3A_448 : i32
      %add3A_450 = arith.constant 6 : i32
      %add3A_451 = arith.addi %sub3A_449, %add3A_450 : i32
      %dma_start3A_452 = arith.constant 0 : i32
      %dma_start3A_453 = tpu.memref_slice %arg5[%add3A_451, %dma_start3A_452] : memref<64x16xi32, #tpu.memory_space<vmem>> -> memref<1x16xi32, #tpu.memory_space<vmem>>
      %dma_start3A_454 = tpu.memref_squeeze %dma_start3A_453 : memref<1x16xi32, #tpu.memory_space<vmem>> -> memref<16xi32, #tpu.memory_space<vmem>>
      %dma_start3A_455 = arith.constant 0 : i32
      %dma_start3A_456 = arith.constant 0 : i32
      %dma_start3A_457 = tpu.memref_slice %arg3[%dma_start3A_455, %dma_start3A_456] : memref<32768x1024xf32, #tpu.memory_space<hbm>> -> memref<32768x1024xf32, #tpu.memory_space<hbm>>
      tpu.enqueue_indirect_dma source(%dma_start3A_457 : memref<32768x1024xf32, #tpu.memory_space<hbm>>) target(%arg11 : memref<16x1024xf32, #tpu.memory_space<vmem>>) offsets(%dma_start3A_454 : memref<16xi32, #tpu.memory_space<vmem>>) semaphore(%arg17 : memref<!tpu.dma_semaphore, #tpu.memory_space<semaphore_mem>>)
      %add3A_458 = arith.constant 1 : i32
      %add3A_459 = arith.addi %mul3A_424, %add3A_458 : i32
      %dma_wait3A_460 = arith.constant 0 : i32
      %dma_wait3A_461 = tpu.memref_slice %arg5[%add3A_459, %dma_wait3A_460] : memref<64x16xi32, #tpu.memory_space<vmem>> -> memref<1x16xi32, #tpu.memory_space<vmem>>
      %dma_wait3A_462 = tpu.memref_squeeze %dma_wait3A_461 : memref<1x16xi32, #tpu.memory_space<vmem>> -> memref<16xi32, #tpu.memory_space<vmem>>
      %dma_wait3A_463 = arith.constant 0 : i32
      %dma_wait3A_464 = arith.constant 0 : i32
      %dma_wait3A_465 = tpu.memref_slice %arg3[%dma_wait3A_463, %dma_wait3A_464] : memref<32768x1024xf32, #tpu.memory_space<hbm>> -> memref<32768x1024xf32, #tpu.memory_space<hbm>>
      tpu.wait_indirect_dma semaphore(%arg13 : memref<!tpu.dma_semaphore, #tpu.memory_space<semaphore_mem>>) src(%dma_wait3A_465 : memref<32768x1024xf32, #tpu.memory_space<hbm>>) dst(%arg7 : memref<16x1024xf32, #tpu.memory_space<vmem>>)
      %mul3A_466 = arith.constant 16 : i32
      %mul3A_467 = arith.muli %add3A_459, %mul3A_466 : i32
      %add3A_468 = arith.addi %mul3A_2, %mul3A_467 : i32
      %dma_start3A_469 = arith.constant 0 : i32
      %dma_start3A_470 = tpu.memref_slice %arg4[%add3A_468, %dma_start3A_469] : memref<32768x1024xf32, #tpu.memory_space<hbm>> -> memref<16x1024xf32, #tpu.memory_space<hbm>>
      %dma_start3A_471 = arith.constant 0 : i32
      %dma_start3A_472 = tpu.memref_slice %arg4[%add3A_468, %dma_start3A_471] : memref<32768x1024xf32, #tpu.memory_space<hbm>> -> memref<16x1024xf32, #tpu.memory_space<hbm>>
      tpu.enqueue_dma source(%arg7 : memref<16x1024xf32, #tpu.memory_space<vmem>>) target(%dma_start3A_472 : memref<16x1024xf32, #tpu.memory_space<hbm>>) target_semaphore(%arg19 : memref<!tpu.dma_semaphore, #tpu.memory_space<semaphore_mem>>)
      %sub3A_473 = arith.constant 1 : i32
      %sub3A_474 = arith.subi %add3A_459, %sub3A_473 : i32
      %mul3A_475 = arith.constant 16 : i32
      %mul3A_476 = arith.muli %sub3A_474, %mul3A_475 : i32
      %add3A_477 = arith.addi %mul3A_2, %mul3A_476 : i32
      %dma_wait3A_478 = arith.constant 0 : i32
      %dma_wait3A_479 = tpu.memref_slice %arg4[%add3A_477, %dma_wait3A_478] : memref<32768x1024xf32, #tpu.memory_space<hbm>> -> memref<16x1024xf32, #tpu.memory_space<hbm>>
      %dma_wait3A_480 = arith.constant 0 : i32
      %dma_wait3A_481 = tpu.memref_slice %arg4[%add3A_477, %dma_wait3A_480] : memref<32768x1024xf32, #tpu.memory_space<hbm>> -> memref<16x1024xf32, #tpu.memory_space<hbm>>
      tpu.wait_dma2 semaphore(%arg18 : memref<!tpu.dma_semaphore, #tpu.memory_space<semaphore_mem>>) src(%arg6 : memref<16x1024xf32, #tpu.memory_space<vmem>>) dst(%dma_wait3A_481 : memref<16x1024xf32, #tpu.memory_space<hbm>>)
      %sub3A_482 = arith.constant 1 : i32
      %sub3A_483 = arith.subi %add3A_459, %sub3A_482 : i32
      %add3A_484 = arith.constant 6 : i32
      %add3A_485 = arith.addi %sub3A_483, %add3A_484 : i32
      %dma_start3A_486 = arith.constant 0 : i32
      %dma_start3A_487 = tpu.memref_slice %arg5[%add3A_485, %dma_start3A_486] : memref<64x16xi32, #tpu.memory_space<vmem>> -> memref<1x16xi32, #tpu.memory_space<vmem>>
      %dma_start3A_488 = tpu.memref_squeeze %dma_start3A_487 : memref<1x16xi32, #tpu.memory_space<vmem>> -> memref<16xi32, #tpu.memory_space<vmem>>
      %dma_start3A_489 = arith.constant 0 : i32
      %dma_start3A_490 = arith.constant 0 : i32
      %dma_start3A_491 = tpu.memref_slice %arg3[%dma_start3A_489, %dma_start3A_490] : memref<32768x1024xf32, #tpu.memory_space<hbm>> -> memref<32768x1024xf32, #tpu.memory_space<hbm>>
      tpu.enqueue_indirect_dma source(%dma_start3A_491 : memref<32768x1024xf32, #tpu.memory_space<hbm>>) target(%arg6 : memref<16x1024xf32, #tpu.memory_space<vmem>>) offsets(%dma_start3A_488 : memref<16xi32, #tpu.memory_space<vmem>>) semaphore(%arg12 : memref<!tpu.dma_semaphore, #tpu.memory_space<semaphore_mem>>)
      %add3A_492 = arith.constant 2 : i32
      %add3A_493 = arith.addi %mul3A_424, %add3A_492 : i32
      %dma_wait3A_494 = arith.constant 0 : i32
      %dma_wait3A_495 = tpu.memref_slice %arg5[%add3A_493, %dma_wait3A_494] : memref<64x16xi32, #tpu.memory_space<vmem>> -> memref<1x16xi32, #tpu.memory_space<vmem>>
      %dma_wait3A_496 = tpu.memref_squeeze %dma_wait3A_495 : memref<1x16xi32, #tpu.memory_space<vmem>> -> memref<16xi32, #tpu.memory_space<vmem>>
      %dma_wait3A_497 = arith.constant 0 : i32
      %dma_wait3A_498 = arith.constant 0 : i32
      %dma_wait3A_499 = tpu.memref_slice %arg3[%dma_wait3A_497, %dma_wait3A_498] : memref<32768x1024xf32, #tpu.memory_space<hbm>> -> memref<32768x1024xf32, #tpu.memory_space<hbm>>
      tpu.wait_indirect_dma semaphore(%arg14 : memref<!tpu.dma_semaphore, #tpu.memory_space<semaphore_mem>>) src(%dma_wait3A_499 : memref<32768x1024xf32, #tpu.memory_space<hbm>>) dst(%arg8 : memref<16x1024xf32, #tpu.memory_space<vmem>>)
      %mul3A_500 = arith.constant 16 : i32
      %mul3A_501 = arith.muli %add3A_493, %mul3A_500 : i32
      %add3A_502 = arith.addi %mul3A_2, %mul3A_501 : i32
      %dma_start3A_503 = arith.constant 0 : i32
      %dma_start3A_504 = tpu.memref_slice %arg4[%add3A_502, %dma_start3A_503] : memref<32768x1024xf32, #tpu.memory_space<hbm>> -> memref<16x1024xf32, #tpu.memory_space<hbm>>
      %dma_start3A_505 = arith.constant 0 : i32
      %dma_start3A_506 = tpu.memref_slice %arg4[%add3A_502, %dma_start3A_505] : memref<32768x1024xf32, #tpu.memory_space<hbm>> -> memref<16x1024xf32, #tpu.memory_space<hbm>>
      tpu.enqueue_dma source(%arg8 : memref<16x1024xf32, #tpu.memory_space<vmem>>) target(%dma_start3A_506 : memref<16x1024xf32, #tpu.memory_space<hbm>>) target_semaphore(%arg20 : memref<!tpu.dma_semaphore, #tpu.memory_space<semaphore_mem>>)
      %sub3A_507 = arith.constant 1 : i32
      %sub3A_508 = arith.subi %add3A_493, %sub3A_507 : i32
      %mul3A_509 = arith.constant 16 : i32
      %mul3A_510 = arith.muli %sub3A_508, %mul3A_509 : i32
      %add3A_511 = arith.addi %mul3A_2, %mul3A_510 : i32
      %dma_wait3A_512 = arith.constant 0 : i32
      %dma_wait3A_513 = tpu.memref_slice %arg4[%add3A_511, %dma_wait3A_512] : memref<32768x1024xf32, #tpu.memory_space<hbm>> -> memref<16x1024xf32, #tpu.memory_space<hbm>>
      %dma_wait3A_514 = arith.constant 0 : i32
      %dma_wait3A_515 = tpu.memref_slice %arg4[%add3A_511, %dma_wait3A_514] : memref<32768x1024xf32, #tpu.memory_space<hbm>> -> memref<16x1024xf32, #tpu.memory_space<hbm>>
      tpu.wait_dma2 semaphore(%arg19 : memref<!tpu.dma_semaphore, #tpu.memory_space<semaphore_mem>>) src(%arg7 : memref<16x1024xf32, #tpu.memory_space<vmem>>) dst(%dma_wait3A_515 : memref<16x1024xf32, #tpu.memory_space<hbm>>)
      %sub3A_516 = arith.constant 1 : i32
      %sub3A_517 = arith.subi %add3A_493, %sub3A_516 : i32
      %add3A_518 = arith.constant 6 : i32
      %add3A_519 = arith.addi %sub3A_517, %add3A_518 : i32
      %dma_start3A_520 = arith.constant 0 : i32
      %dma_start3A_521 = tpu.memref_slice %arg5[%add3A_519, %dma_start3A_520] : memref<64x16xi32, #tpu.memory_space<vmem>> -> memref<1x16xi32, #tpu.memory_space<vmem>>
      %dma_start3A_522 = tpu.memref_squeeze %dma_start3A_521 : memref<1x16xi32, #tpu.memory_space<vmem>> -> memref<16xi32, #tpu.memory_space<vmem>>
      %dma_start3A_523 = arith.constant 0 : i32
      %dma_start3A_524 = arith.constant 0 : i32
      %dma_start3A_525 = tpu.memref_slice %arg3[%dma_start3A_523, %dma_start3A_524] : memref<32768x1024xf32, #tpu.memory_space<hbm>> -> memref<32768x1024xf32, #tpu.memory_space<hbm>>
      tpu.enqueue_indirect_dma source(%dma_start3A_525 : memref<32768x1024xf32, #tpu.memory_space<hbm>>) target(%arg7 : memref<16x1024xf32, #tpu.memory_space<vmem>>) offsets(%dma_start3A_522 : memref<16xi32, #tpu.memory_space<vmem>>) semaphore(%arg13 : memref<!tpu.dma_semaphore, #tpu.memory_space<semaphore_mem>>)
      %add3A_526 = arith.constant 3 : i32
      %add3A_527 = arith.addi %mul3A_424, %add3A_526 : i32
      %dma_wait3A_528 = arith.constant 0 : i32
      %dma_wait3A_529 = tpu.memref_slice %arg5[%add3A_527, %dma_wait3A_528] : memref<64x16xi32, #tpu.memory_space<vmem>> -> memref<1x16xi32, #tpu.memory_space<vmem>>
      %dma_wait3A_530 = tpu.memref_squeeze %dma_wait3A_529 : memref<1x16xi32, #tpu.memory_space<vmem>> -> memref<16xi32, #tpu.memory_space<vmem>>
      %dma_wait3A_531 = arith.constant 0 : i32
      %dma_wait3A_532 = arith.constant 0 : i32
      %dma_wait3A_533 = tpu.memref_slice %arg3[%dma_wait3A_531, %dma_wait3A_532] : memref<32768x1024xf32, #tpu.memory_space<hbm>> -> memref<32768x1024xf32, #tpu.memory_space<hbm>>
      tpu.wait_indirect_dma semaphore(%arg15 : memref<!tpu.dma_semaphore, #tpu.memory_space<semaphore_mem>>) src(%dma_wait3A_533 : memref<32768x1024xf32, #tpu.memory_space<hbm>>) dst(%arg9 : memref<16x1024xf32, #tpu.memory_space<vmem>>)
      %mul3A_534 = arith.constant 16 : i32
      %mul3A_535 = arith.muli %add3A_527, %mul3A_534 : i32
      %add3A_536 = arith.addi %mul3A_2, %mul3A_535 : i32
      %dma_start3A_537 = arith.constant 0 : i32
      %dma_start3A_538 = tpu.memref_slice %arg4[%add3A_536, %dma_start3A_537] : memref<32768x1024xf32, #tpu.memory_space<hbm>> -> memref<16x1024xf32, #tpu.memory_space<hbm>>
      %dma_start3A_539 = arith.constant 0 : i32
      %dma_start3A_540 = tpu.memref_slice %arg4[%add3A_536, %dma_start3A_539] : memref<32768x1024xf32, #tpu.memory_space<hbm>> -> memref<16x1024xf32, #tpu.memory_space<hbm>>
      tpu.enqueue_dma source(%arg9 : memref<16x1024xf32, #tpu.memory_space<vmem>>) target(%dma_start3A_540 : memref<16x1024xf32, #tpu.memory_space<hbm>>) target_semaphore(%arg21 : memref<!tpu.dma_semaphore, #tpu.memory_space<semaphore_mem>>)
      %sub3A_541 = arith.constant 1 : i32
      %sub3A_542 = arith.subi %add3A_527, %sub3A_541 : i32
      %mul3A_543 = arith.constant 16 : i32
      %mul3A_544 = arith.muli %sub3A_542, %mul3A_543 : i32
      %add3A_545 = arith.addi %mul3A_2, %mul3A_544 : i32
      %dma_wait3A_546 = arith.constant 0 : i32
      %dma_wait3A_547 = tpu.memref_slice %arg4[%add3A_545, %dma_wait3A_546] : memref<32768x1024xf32, #tpu.memory_space<hbm>> -> memref<16x1024xf32, #tpu.memory_space<hbm>>
      %dma_wait3A_548 = arith.constant 0 : i32
      %dma_wait3A_549 = tpu.memref_slice %arg4[%add3A_545, %dma_wait3A_548] : memref<32768x1024xf32, #tpu.memory_space<hbm>> -> memref<16x1024xf32, #tpu.memory_space<hbm>>
      tpu.wait_dma2 semaphore(%arg20 : memref<!tpu.dma_semaphore, #tpu.memory_space<semaphore_mem>>) src(%arg8 : memref<16x1024xf32, #tpu.memory_space<vmem>>) dst(%dma_wait3A_549 : memref<16x1024xf32, #tpu.memory_space<hbm>>)
      %sub3A_550 = arith.constant 1 : i32
      %sub3A_551 = arith.subi %add3A_527, %sub3A_550 : i32
      %add3A_552 = arith.constant 6 : i32
      %add3A_553 = arith.addi %sub3A_551, %add3A_552 : i32
      %dma_start3A_554 = arith.constant 0 : i32
      %dma_start3A_555 = tpu.memref_slice %arg5[%add3A_553, %dma_start3A_554] : memref<64x16xi32, #tpu.memory_space<vmem>> -> memref<1x16xi32, #tpu.memory_space<vmem>>
      %dma_start3A_556 = tpu.memref_squeeze %dma_start3A_555 : memref<1x16xi32, #tpu.memory_space<vmem>> -> memref<16xi32, #tpu.memory_space<vmem>>
      %dma_start3A_557 = arith.constant 0 : i32
      %dma_start3A_558 = arith.constant 0 : i32
      %dma_start3A_559 = tpu.memref_slice %arg3[%dma_start3A_557, %dma_start3A_558] : memref<32768x1024xf32, #tpu.memory_space<hbm>> -> memref<32768x1024xf32, #tpu.memory_space<hbm>>
      tpu.enqueue_indirect_dma source(%dma_start3A_559 : memref<32768x1024xf32, #tpu.memory_space<hbm>>) target(%arg8 : memref<16x1024xf32, #tpu.memory_space<vmem>>) offsets(%dma_start3A_556 : memref<16xi32, #tpu.memory_space<vmem>>) semaphore(%arg14 : memref<!tpu.dma_semaphore, #tpu.memory_space<semaphore_mem>>)
      %add3A_560 = arith.constant 4 : i32
      %add3A_561 = arith.addi %mul3A_424, %add3A_560 : i32
      %dma_wait3A_562 = arith.constant 0 : i32
      %dma_wait3A_563 = tpu.memref_slice %arg5[%add3A_561, %dma_wait3A_562] : memref<64x16xi32, #tpu.memory_space<vmem>> -> memref<1x16xi32, #tpu.memory_space<vmem>>
      %dma_wait3A_564 = tpu.memref_squeeze %dma_wait3A_563 : memref<1x16xi32, #tpu.memory_space<vmem>> -> memref<16xi32, #tpu.memory_space<vmem>>
      %dma_wait3A_565 = arith.constant 0 : i32
      %dma_wait3A_566 = arith.constant 0 : i32
      %dma_wait3A_567 = tpu.memref_slice %arg3[%dma_wait3A_565, %dma_wait3A_566] : memref<32768x1024xf32, #tpu.memory_space<hbm>> -> memref<32768x1024xf32, #tpu.memory_space<hbm>>
      tpu.wait_indirect_dma semaphore(%arg16 : memref<!tpu.dma_semaphore, #tpu.memory_space<semaphore_mem>>) src(%dma_wait3A_567 : memref<32768x1024xf32, #tpu.memory_space<hbm>>) dst(%arg10 : memref<16x1024xf32, #tpu.memory_space<vmem>>)
      %mul3A_568 = arith.constant 16 : i32
      %mul3A_569 = arith.muli %add3A_561, %mul3A_568 : i32
      %add3A_570 = arith.addi %mul3A_2, %mul3A_569 : i32
      %dma_start3A_571 = arith.constant 0 : i32
      %dma_start3A_572 = tpu.memref_slice %arg4[%add3A_570, %dma_start3A_571] : memref<32768x1024xf32, #tpu.memory_space<hbm>> -> memref<16x1024xf32, #tpu.memory_space<hbm>>
      %dma_start3A_573 = arith.constant 0 : i32
      %dma_start3A_574 = tpu.memref_slice %arg4[%add3A_570, %dma_start3A_573] : memref<32768x1024xf32, #tpu.memory_space<hbm>> -> memref<16x1024xf32, #tpu.memory_space<hbm>>
      tpu.enqueue_dma source(%arg10 : memref<16x1024xf32, #tpu.memory_space<vmem>>) target(%dma_start3A_574 : memref<16x1024xf32, #tpu.memory_space<hbm>>) target_semaphore(%arg22 : memref<!tpu.dma_semaphore, #tpu.memory_space<semaphore_mem>>)
      %sub3A_575 = arith.constant 1 : i32
      %sub3A_576 = arith.subi %add3A_561, %sub3A_575 : i32
      %mul3A_577 = arith.constant 16 : i32
      %mul3A_578 = arith.muli %sub3A_576, %mul3A_577 : i32
      %add3A_579 = arith.addi %mul3A_2, %mul3A_578 : i32
      %dma_wait3A_580 = arith.constant 0 : i32
      %dma_wait3A_581 = tpu.memref_slice %arg4[%add3A_579, %dma_wait3A_580] : memref<32768x1024xf32, #tpu.memory_space<hbm>> -> memref<16x1024xf32, #tpu.memory_space<hbm>>
      %dma_wait3A_582 = arith.constant 0 : i32
      %dma_wait3A_583 = tpu.memref_slice %arg4[%add3A_579, %dma_wait3A_582] : memref<32768x1024xf32, #tpu.memory_space<hbm>> -> memref<16x1024xf32, #tpu.memory_space<hbm>>
      tpu.wait_dma2 semaphore(%arg21 : memref<!tpu.dma_semaphore, #tpu.memory_space<semaphore_mem>>) src(%arg9 : memref<16x1024xf32, #tpu.memory_space<vmem>>) dst(%dma_wait3A_583 : memref<16x1024xf32, #tpu.memory_space<hbm>>)
      %sub3A_584 = arith.constant 1 : i32
      %sub3A_585 = arith.subi %add3A_561, %sub3A_584 : i32
      %add3A_586 = arith.constant 6 : i32
      %add3A_587 = arith.addi %sub3A_585, %add3A_586 : i32
      %dma_start3A_588 = arith.constant 0 : i32
      %dma_start3A_589 = tpu.memref_slice %arg5[%add3A_587, %dma_start3A_588] : memref<64x16xi32, #tpu.memory_space<vmem>> -> memref<1x16xi32, #tpu.memory_space<vmem>>
      %dma_start3A_590 = tpu.memref_squeeze %dma_start3A_589 : memref<1x16xi32, #tpu.memory_space<vmem>> -> memref<16xi32, #tpu.memory_space<vmem>>
      %dma_start3A_591 = arith.constant 0 : i32
      %dma_start3A_592 = arith.constant 0 : i32
      %dma_start3A_593 = tpu.memref_slice %arg3[%dma_start3A_591, %dma_start3A_592] : memref<32768x1024xf32, #tpu.memory_space<hbm>> -> memref<32768x1024xf32, #tpu.memory_space<hbm>>
      tpu.enqueue_indirect_dma source(%dma_start3A_593 : memref<32768x1024xf32, #tpu.memory_space<hbm>>) target(%arg9 : memref<16x1024xf32, #tpu.memory_space<vmem>>) offsets(%dma_start3A_590 : memref<16xi32, #tpu.memory_space<vmem>>) semaphore(%arg15 : memref<!tpu.dma_semaphore, #tpu.memory_space<semaphore_mem>>)
      %add3A_594 = arith.constant 5 : i32
      %add3A_595 = arith.addi %mul3A_424, %add3A_594 : i32
      %dma_wait3A_596 = arith.constant 0 : i32
      %dma_wait3A_597 = tpu.memref_slice %arg5[%add3A_595, %dma_wait3A_596] : memref<64x16xi32, #tpu.memory_space<vmem>> -> memref<1x16xi32, #tpu.memory_space<vmem>>
      %dma_wait3A_598 = tpu.memref_squeeze %dma_wait3A_597 : memref<1x16xi32, #tpu.memory_space<vmem>> -> memref<16xi32, #tpu.memory_space<vmem>>
      %dma_wait3A_599 = arith.constant 0 : i32
      %dma_wait3A_600 = arith.constant 0 : i32
      %dma_wait3A_601 = tpu.memref_slice %arg3[%dma_wait3A_599, %dma_wait3A_600] : memref<32768x1024xf32, #tpu.memory_space<hbm>> -> memref<32768x1024xf32, #tpu.memory_space<hbm>>
      tpu.wait_indirect_dma semaphore(%arg17 : memref<!tpu.dma_semaphore, #tpu.memory_space<semaphore_mem>>) src(%dma_wait3A_601 : memref<32768x1024xf32, #tpu.memory_space<hbm>>) dst(%arg11 : memref<16x1024xf32, #tpu.memory_space<vmem>>)
      %mul3A_602 = arith.constant 16 : i32
      %mul3A_603 = arith.muli %add3A_595, %mul3A_602 : i32
      %add3A_604 = arith.addi %mul3A_2, %mul3A_603 : i32
      %dma_start3A_605 = arith.constant 0 : i32
      %dma_start3A_606 = tpu.memref_slice %arg4[%add3A_604, %dma_start3A_605] : memref<32768x1024xf32, #tpu.memory_space<hbm>> -> memref<16x1024xf32, #tpu.memory_space<hbm>>
      %dma_start3A_607 = arith.constant 0 : i32
      %dma_start3A_608 = tpu.memref_slice %arg4[%add3A_604, %dma_start3A_607] : memref<32768x1024xf32, #tpu.memory_space<hbm>> -> memref<16x1024xf32, #tpu.memory_space<hbm>>
      tpu.enqueue_dma source(%arg11 : memref<16x1024xf32, #tpu.memory_space<vmem>>) target(%dma_start3A_608 : memref<16x1024xf32, #tpu.memory_space<hbm>>) target_semaphore(%arg23 : memref<!tpu.dma_semaphore, #tpu.memory_space<semaphore_mem>>)
      %sub3A_609 = arith.constant 1 : i32
      %sub3A_610 = arith.subi %add3A_595, %sub3A_609 : i32
      %mul3A_611 = arith.constant 16 : i32
      %mul3A_612 = arith.muli %sub3A_610, %mul3A_611 : i32
      %add3A_613 = arith.addi %mul3A_2, %mul3A_612 : i32
      %dma_wait3A_614 = arith.constant 0 : i32
      %dma_wait3A_615 = tpu.memref_slice %arg4[%add3A_613, %dma_wait3A_614] : memref<32768x1024xf32, #tpu.memory_space<hbm>> -> memref<16x1024xf32, #tpu.memory_space<hbm>>
      %dma_wait3A_616 = arith.constant 0 : i32
      %dma_wait3A_617 = tpu.memref_slice %arg4[%add3A_613, %dma_wait3A_616] : memref<32768x1024xf32, #tpu.memory_space<hbm>> -> memref<16x1024xf32, #tpu.memory_space<hbm>>
      tpu.wait_dma2 semaphore(%arg22 : memref<!tpu.dma_semaphore, #tpu.memory_space<semaphore_mem>>) src(%arg10 : memref<16x1024xf32, #tpu.memory_space<vmem>>) dst(%dma_wait3A_617 : memref<16x1024xf32, #tpu.memory_space<hbm>>)
      %sub3A_618 = arith.constant 1 : i32
      %sub3A_619 = arith.subi %add3A_595, %sub3A_618 : i32
      %add3A_620 = arith.constant 6 : i32
      %add3A_621 = arith.addi %sub3A_619, %add3A_620 : i32
      %dma_start3A_622 = arith.constant 0 : i32
      %dma_start3A_623 = tpu.memref_slice %arg5[%add3A_621, %dma_start3A_622] : memref<64x16xi32, #tpu.memory_space<vmem>> -> memref<1x16xi32, #tpu.memory_space<vmem>>
      %dma_start3A_624 = tpu.memref_squeeze %dma_start3A_623 : memref<1x16xi32, #tpu.memory_space<vmem>> -> memref<16xi32, #tpu.memory_space<vmem>>
      %dma_start3A_625 = arith.constant 0 : i32
      %dma_start3A_626 = arith.constant 0 : i32
      %dma_start3A_627 = tpu.memref_slice %arg3[%dma_start3A_625, %dma_start3A_626] : memref<32768x1024xf32, #tpu.memory_space<hbm>> -> memref<32768x1024xf32, #tpu.memory_space<hbm>>
      tpu.enqueue_indirect_dma source(%dma_start3A_627 : memref<32768x1024xf32, #tpu.memory_space<hbm>>) target(%arg10 : memref<16x1024xf32, #tpu.memory_space<vmem>>) offsets(%dma_start3A_624 : memref<16xi32, #tpu.memory_space<vmem>>) semaphore(%arg16 : memref<!tpu.dma_semaphore, #tpu.memory_space<semaphore_mem>>)
    }
    %scan3A_190 = arith.constant 8 : i32
    %dma_wait3A_191 = arith.constant 54 : i32
    %dma_wait3A_192 = arith.constant 0 : i32
    %dma_wait3A_193 = tpu.memref_slice %arg5[%dma_wait3A_191, %dma_wait3A_192] : memref<64x16xi32, #tpu.memory_space<vmem>> -> memref<1x16xi32, #tpu.memory_space<vmem>>
    %dma_wait3A_194 = tpu.memref_squeeze %dma_wait3A_193 : memref<1x16xi32, #tpu.memory_space<vmem>> -> memref<16xi32, #tpu.memory_space<vmem>>
    %dma_wait3A_195 = arith.constant 0 : i32
    %dma_wait3A_196 = arith.constant 0 : i32
    %dma_wait3A_197 = tpu.memref_slice %arg3[%dma_wait3A_195, %dma_wait3A_196] : memref<32768x1024xf32, #tpu.memory_space<hbm>> -> memref<32768x1024xf32, #tpu.memory_space<hbm>>
    tpu.wait_indirect_dma semaphore(%arg12 : memref<!tpu.dma_semaphore, #tpu.memory_space<semaphore_mem>>) src(%dma_wait3A_197 : memref<32768x1024xf32, #tpu.memory_space<hbm>>) dst(%arg6 : memref<16x1024xf32, #tpu.memory_space<vmem>>)
    %add3A_198 = arith.constant 864 : i32
    %add3A_199 = arith.addi %mul3A_2, %add3A_198 : i32
    %dma_start3A_200 = arith.constant 0 : i32
    %dma_start3A_201 = tpu.memref_slice %arg4[%add3A_199, %dma_start3A_200] : memref<32768x1024xf32, #tpu.memory_space<hbm>> -> memref<16x1024xf32, #tpu.memory_space<hbm>>
    %dma_start3A_202 = arith.constant 0 : i32
    %dma_start3A_203 = tpu.memref_slice %arg4[%add3A_199, %dma_start3A_202] : memref<32768x1024xf32, #tpu.memory_space<hbm>> -> memref<16x1024xf32, #tpu.memory_space<hbm>>
    tpu.enqueue_dma source(%arg6 : memref<16x1024xf32, #tpu.memory_space<vmem>>) target(%dma_start3A_203 : memref<16x1024xf32, #tpu.memory_space<hbm>>) target_semaphore(%arg18 : memref<!tpu.dma_semaphore, #tpu.memory_space<semaphore_mem>>)
    %add3A_204 = arith.constant 848 : i32
    %add3A_205 = arith.addi %mul3A_2, %add3A_204 : i32
    %dma_wait3A_206 = arith.constant 0 : i32
    %dma_wait3A_207 = tpu.memref_slice %arg4[%add3A_205, %dma_wait3A_206] : memref<32768x1024xf32, #tpu.memory_space<hbm>> -> memref<16x1024xf32, #tpu.memory_space<hbm>>
    %dma_wait3A_208 = arith.constant 0 : i32
    %dma_wait3A_209 = tpu.memref_slice %arg4[%add3A_205, %dma_wait3A_208] : memref<32768x1024xf32, #tpu.memory_space<hbm>> -> memref<16x1024xf32, #tpu.memory_space<hbm>>
    tpu.wait_dma2 semaphore(%arg23 : memref<!tpu.dma_semaphore, #tpu.memory_space<semaphore_mem>>) src(%arg11 : memref<16x1024xf32, #tpu.memory_space<vmem>>) dst(%dma_wait3A_209 : memref<16x1024xf32, #tpu.memory_space<hbm>>)
    %dma_start3A_210 = arith.constant 59 : i32
    %dma_start3A_211 = arith.constant 0 : i32
    %dma_start3A_212 = tpu.memref_slice %arg5[%dma_start3A_210, %dma_start3A_211] : memref<64x16xi32, #tpu.memory_space<vmem>> -> memref<1x16xi32, #tpu.memory_space<vmem>>
    %dma_start3A_213 = tpu.memref_squeeze %dma_start3A_212 : memref<1x16xi32, #tpu.memory_space<vmem>> -> memref<16xi32, #tpu.memory_space<vmem>>
    %dma_start3A_214 = arith.constant 0 : i32
    %dma_start3A_215 = arith.constant 0 : i32
    %dma_start3A_216 = tpu.memref_slice %arg3[%dma_start3A_214, %dma_start3A_215] : memref<32768x1024xf32, #tpu.memory_space<hbm>> -> memref<32768x1024xf32, #tpu.memory_space<hbm>>
    tpu.enqueue_indirect_dma source(%dma_start3A_216 : memref<32768x1024xf32, #tpu.memory_space<hbm>>) target(%arg11 : memref<16x1024xf32, #tpu.memory_space<vmem>>) offsets(%dma_start3A_213 : memref<16xi32, #tpu.memory_space<vmem>>) semaphore(%arg17 : memref<!tpu.dma_semaphore, #tpu.memory_space<semaphore_mem>>)
    %dma_wait3A_217 = arith.constant 55 : i32
    %dma_wait3A_218 = arith.constant 0 : i32
    %dma_wait3A_219 = tpu.memref_slice %arg5[%dma_wait3A_217, %dma_wait3A_218] : memref<64x16xi32, #tpu.memory_space<vmem>> -> memref<1x16xi32, #tpu.memory_space<vmem>>
    %dma_wait3A_220 = tpu.memref_squeeze %dma_wait3A_219 : memref<1x16xi32, #tpu.memory_space<vmem>> -> memref<16xi32, #tpu.memory_space<vmem>>
    %dma_wait3A_221 = arith.constant 0 : i32
    %dma_wait3A_222 = arith.constant 0 : i32
    %dma_wait3A_223 = tpu.memref_slice %arg3[%dma_wait3A_221, %dma_wait3A_222] : memref<32768x1024xf32, #tpu.memory_space<hbm>> -> memref<32768x1024xf32, #tpu.memory_space<hbm>>
    tpu.wait_indirect_dma semaphore(%arg13 : memref<!tpu.dma_semaphore, #tpu.memory_space<semaphore_mem>>) src(%dma_wait3A_223 : memref<32768x1024xf32, #tpu.memory_space<hbm>>) dst(%arg7 : memref<16x1024xf32, #tpu.memory_space<vmem>>)
    %add3A_224 = arith.constant 880 : i32
    %add3A_225 = arith.addi %mul3A_2, %add3A_224 : i32
    %dma_start3A_226 = arith.constant 0 : i32
    %dma_start3A_227 = tpu.memref_slice %arg4[%add3A_225, %dma_start3A_226] : memref<32768x1024xf32, #tpu.memory_space<hbm>> -> memref<16x1024xf32, #tpu.memory_space<hbm>>
    %dma_start3A_228 = arith.constant 0 : i32
    %dma_start3A_229 = tpu.memref_slice %arg4[%add3A_225, %dma_start3A_228] : memref<32768x1024xf32, #tpu.memory_space<hbm>> -> memref<16x1024xf32, #tpu.memory_space<hbm>>
    tpu.enqueue_dma source(%arg7 : memref<16x1024xf32, #tpu.memory_space<vmem>>) target(%dma_start3A_229 : memref<16x1024xf32, #tpu.memory_space<hbm>>) target_semaphore(%arg19 : memref<!tpu.dma_semaphore, #tpu.memory_space<semaphore_mem>>)
    %add3A_230 = arith.constant 864 : i32
    %add3A_231 = arith.addi %mul3A_2, %add3A_230 : i32
    %dma_wait3A_232 = arith.constant 0 : i32
    %dma_wait3A_233 = tpu.memref_slice %arg4[%add3A_231, %dma_wait3A_232] : memref<32768x1024xf32, #tpu.memory_space<hbm>> -> memref<16x1024xf32, #tpu.memory_space<hbm>>
    %dma_wait3A_234 = arith.constant 0 : i32
    %dma_wait3A_235 = tpu.memref_slice %arg4[%add3A_231, %dma_wait3A_234] : memref<32768x1024xf32, #tpu.memory_space<hbm>> -> memref<16x1024xf32, #tpu.memory_space<hbm>>
    tpu.wait_dma2 semaphore(%arg18 : memref<!tpu.dma_semaphore, #tpu.memory_space<semaphore_mem>>) src(%arg6 : memref<16x1024xf32, #tpu.memory_space<vmem>>) dst(%dma_wait3A_235 : memref<16x1024xf32, #tpu.memory_space<hbm>>)
    %dma_start3A_236 = arith.constant 60 : i32
    %dma_start3A_237 = arith.constant 0 : i32
    %dma_start3A_238 = tpu.memref_slice %arg5[%dma_start3A_236, %dma_start3A_237] : memref<64x16xi32, #tpu.memory_space<vmem>> -> memref<1x16xi32, #tpu.memory_space<vmem>>
    %dma_start3A_239 = tpu.memref_squeeze %dma_start3A_238 : memref<1x16xi32, #tpu.memory_space<vmem>> -> memref<16xi32, #tpu.memory_space<vmem>>
    %dma_start3A_240 = arith.constant 0 : i32
    %dma_start3A_241 = arith.constant 0 : i32
    %dma_start3A_242 = tpu.memref_slice %arg3[%dma_start3A_240, %dma_start3A_241] : memref<32768x1024xf32, #tpu.memory_space<hbm>> -> memref<32768x1024xf32, #tpu.memory_space<hbm>>
    tpu.enqueue_indirect_dma source(%dma_start3A_242 : memref<32768x1024xf32, #tpu.memory_space<hbm>>) target(%arg6 : memref<16x1024xf32, #tpu.memory_space<vmem>>) offsets(%dma_start3A_239 : memref<16xi32, #tpu.memory_space<vmem>>) semaphore(%arg12 : memref<!tpu.dma_semaphore, #tpu.memory_space<semaphore_mem>>)
    %dma_wait3A_243 = arith.constant 56 : i32
    %dma_wait3A_244 = arith.constant 0 : i32
    %dma_wait3A_245 = tpu.memref_slice %arg5[%dma_wait3A_243, %dma_wait3A_244] : memref<64x16xi32, #tpu.memory_space<vmem>> -> memref<1x16xi32, #tpu.memory_space<vmem>>
    %dma_wait3A_246 = tpu.memref_squeeze %dma_wait3A_245 : memref<1x16xi32, #tpu.memory_space<vmem>> -> memref<16xi32, #tpu.memory_space<vmem>>
    %dma_wait3A_247 = arith.constant 0 : i32
    %dma_wait3A_248 = arith.constant 0 : i32
    %dma_wait3A_249 = tpu.memref_slice %arg3[%dma_wait3A_247, %dma_wait3A_248] : memref<32768x1024xf32, #tpu.memory_space<hbm>> -> memref<32768x1024xf32, #tpu.memory_space<hbm>>
    tpu.wait_indirect_dma semaphore(%arg14 : memref<!tpu.dma_semaphore, #tpu.memory_space<semaphore_mem>>) src(%dma_wait3A_249 : memref<32768x1024xf32, #tpu.memory_space<hbm>>) dst(%arg8 : memref<16x1024xf32, #tpu.memory_space<vmem>>)
    %add3A_250 = arith.constant 896 : i32
    %add3A_251 = arith.addi %mul3A_2, %add3A_250 : i32
    %dma_start3A_252 = arith.constant 0 : i32
    %dma_start3A_253 = tpu.memref_slice %arg4[%add3A_251, %dma_start3A_252] : memref<32768x1024xf32, #tpu.memory_space<hbm>> -> memref<16x1024xf32, #tpu.memory_space<hbm>>
    %dma_start3A_254 = arith.constant 0 : i32
    %dma_start3A_255 = tpu.memref_slice %arg4[%add3A_251, %dma_start3A_254] : memref<32768x1024xf32, #tpu.memory_space<hbm>> -> memref<16x1024xf32, #tpu.memory_space<hbm>>
    tpu.enqueue_dma source(%arg8 : memref<16x1024xf32, #tpu.memory_space<vmem>>) target(%dma_start3A_255 : memref<16x1024xf32, #tpu.memory_space<hbm>>) target_semaphore(%arg20 : memref<!tpu.dma_semaphore, #tpu.memory_space<semaphore_mem>>)
    %add3A_256 = arith.constant 880 : i32
    %add3A_257 = arith.addi %mul3A_2, %add3A_256 : i32
    %dma_wait3A_258 = arith.constant 0 : i32
    %dma_wait3A_259 = tpu.memref_slice %arg4[%add3A_257, %dma_wait3A_258] : memref<32768x1024xf32, #tpu.memory_space<hbm>> -> memref<16x1024xf32, #tpu.memory_space<hbm>>
    %dma_wait3A_260 = arith.constant 0 : i32
    %dma_wait3A_261 = tpu.memref_slice %arg4[%add3A_257, %dma_wait3A_260] : memref<32768x1024xf32, #tpu.memory_space<hbm>> -> memref<16x1024xf32, #tpu.memory_space<hbm>>
    tpu.wait_dma2 semaphore(%arg19 : memref<!tpu.dma_semaphore, #tpu.memory_space<semaphore_mem>>) src(%arg7 : memref<16x1024xf32, #tpu.memory_space<vmem>>) dst(%dma_wait3A_261 : memref<16x1024xf32, #tpu.memory_space<hbm>>)
    %dma_start3A_262 = arith.constant 61 : i32
    %dma_start3A_263 = arith.constant 0 : i32
    %dma_start3A_264 = tpu.memref_slice %arg5[%dma_start3A_262, %dma_start3A_263] : memref<64x16xi32, #tpu.memory_space<vmem>> -> memref<1x16xi32, #tpu.memory_space<vmem>>
    %dma_start3A_265 = tpu.memref_squeeze %dma_start3A_264 : memref<1x16xi32, #tpu.memory_space<vmem>> -> memref<16xi32, #tpu.memory_space<vmem>>
    %dma_start3A_266 = arith.constant 0 : i32
    %dma_start3A_267 = arith.constant 0 : i32
    %dma_start3A_268 = tpu.memref_slice %arg3[%dma_start3A_266, %dma_start3A_267] : memref<32768x1024xf32, #tpu.memory_space<hbm>> -> memref<32768x1024xf32, #tpu.memory_space<hbm>>
    tpu.enqueue_indirect_dma source(%dma_start3A_268 : memref<32768x1024xf32, #tpu.memory_space<hbm>>) target(%arg7 : memref<16x1024xf32, #tpu.memory_space<vmem>>) offsets(%dma_start3A_265 : memref<16xi32, #tpu.memory_space<vmem>>) semaphore(%arg13 : memref<!tpu.dma_semaphore, #tpu.memory_space<semaphore_mem>>)
    %dma_wait3A_269 = arith.constant 57 : i32
    %dma_wait3A_270 = arith.constant 0 : i32
    %dma_wait3A_271 = tpu.memref_slice %arg5[%dma_wait3A_269, %dma_wait3A_270] : memref<64x16xi32, #tpu.memory_space<vmem>> -> memref<1x16xi32, #tpu.memory_space<vmem>>
    %dma_wait3A_272 = tpu.memref_squeeze %dma_wait3A_271 : memref<1x16xi32, #tpu.memory_space<vmem>> -> memref<16xi32, #tpu.memory_space<vmem>>
    %dma_wait3A_273 = arith.constant 0 : i32
    %dma_wait3A_274 = arith.constant 0 : i32
    %dma_wait3A_275 = tpu.memref_slice %arg3[%dma_wait3A_273, %dma_wait3A_274] : memref<32768x1024xf32, #tpu.memory_space<hbm>> -> memref<32768x1024xf32, #tpu.memory_space<hbm>>
    tpu.wait_indirect_dma semaphore(%arg15 : memref<!tpu.dma_semaphore, #tpu.memory_space<semaphore_mem>>) src(%dma_wait3A_275 : memref<32768x1024xf32, #tpu.memory_space<hbm>>) dst(%arg9 : memref<16x1024xf32, #tpu.memory_space<vmem>>)
    %add3A_276 = arith.constant 912 : i32
    %add3A_277 = arith.addi %mul3A_2, %add3A_276 : i32
    %dma_start3A_278 = arith.constant 0 : i32
    %dma_start3A_279 = tpu.memref_slice %arg4[%add3A_277, %dma_start3A_278] : memref<32768x1024xf32, #tpu.memory_space<hbm>> -> memref<16x1024xf32, #tpu.memory_space<hbm>>
    %dma_start3A_280 = arith.constant 0 : i32
    %dma_start3A_281 = tpu.memref_slice %arg4[%add3A_277, %dma_start3A_280] : memref<32768x1024xf32, #tpu.memory_space<hbm>> -> memref<16x1024xf32, #tpu.memory_space<hbm>>
    tpu.enqueue_dma source(%arg9 : memref<16x1024xf32, #tpu.memory_space<vmem>>) target(%dma_start3A_281 : memref<16x1024xf32, #tpu.memory_space<hbm>>) target_semaphore(%arg21 : memref<!tpu.dma_semaphore, #tpu.memory_space<semaphore_mem>>)
    %add3A_282 = arith.constant 896 : i32
    %add3A_283 = arith.addi %mul3A_2, %add3A_282 : i32
    %dma_wait3A_284 = arith.constant 0 : i32
    %dma_wait3A_285 = tpu.memref_slice %arg4[%add3A_283, %dma_wait3A_284] : memref<32768x1024xf32, #tpu.memory_space<hbm>> -> memref<16x1024xf32, #tpu.memory_space<hbm>>
    %dma_wait3A_286 = arith.constant 0 : i32
    %dma_wait3A_287 = tpu.memref_slice %arg4[%add3A_283, %dma_wait3A_286] : memref<32768x1024xf32, #tpu.memory_space<hbm>> -> memref<16x1024xf32, #tpu.memory_space<hbm>>
    tpu.wait_dma2 semaphore(%arg20 : memref<!tpu.dma_semaphore, #tpu.memory_space<semaphore_mem>>) src(%arg8 : memref<16x1024xf32, #tpu.memory_space<vmem>>) dst(%dma_wait3A_287 : memref<16x1024xf32, #tpu.memory_space<hbm>>)
    %dma_start3A_288 = arith.constant 62 : i32
    %dma_start3A_289 = arith.constant 0 : i32
    %dma_start3A_290 = tpu.memref_slice %arg5[%dma_start3A_288, %dma_start3A_289] : memref<64x16xi32, #tpu.memory_space<vmem>> -> memref<1x16xi32, #tpu.memory_space<vmem>>
    %dma_start3A_291 = tpu.memref_squeeze %dma_start3A_290 : memref<1x16xi32, #tpu.memory_space<vmem>> -> memref<16xi32, #tpu.memory_space<vmem>>
    %dma_start3A_292 = arith.constant 0 : i32
    %dma_start3A_293 = arith.constant 0 : i32
    %dma_start3A_294 = tpu.memref_slice %arg3[%dma_start3A_292, %dma_start3A_293] : memref<32768x1024xf32, #tpu.memory_space<hbm>> -> memref<32768x1024xf32, #tpu.memory_space<hbm>>
    tpu.enqueue_indirect_dma source(%dma_start3A_294 : memref<32768x1024xf32, #tpu.memory_space<hbm>>) target(%arg8 : memref<16x1024xf32, #tpu.memory_space<vmem>>) offsets(%dma_start3A_291 : memref<16xi32, #tpu.memory_space<vmem>>) semaphore(%arg14 : memref<!tpu.dma_semaphore, #tpu.memory_space<semaphore_mem>>)
    %dma_wait3A_295 = arith.constant 58 : i32
    %dma_wait3A_296 = arith.constant 0 : i32
    %dma_wait3A_297 = tpu.memref_slice %arg5[%dma_wait3A_295, %dma_wait3A_296] : memref<64x16xi32, #tpu.memory_space<vmem>> -> memref<1x16xi32, #tpu.memory_space<vmem>>
    %dma_wait3A_298 = tpu.memref_squeeze %dma_wait3A_297 : memref<1x16xi32, #tpu.memory_space<vmem>> -> memref<16xi32, #tpu.memory_space<vmem>>
    %dma_wait3A_299 = arith.constant 0 : i32
    %dma_wait3A_300 = arith.constant 0 : i32
    %dma_wait3A_301 = tpu.memref_slice %arg3[%dma_wait3A_299, %dma_wait3A_300] : memref<32768x1024xf32, #tpu.memory_space<hbm>> -> memref<32768x1024xf32, #tpu.memory_space<hbm>>
    tpu.wait_indirect_dma semaphore(%arg16 : memref<!tpu.dma_semaphore, #tpu.memory_space<semaphore_mem>>) src(%dma_wait3A_301 : memref<32768x1024xf32, #tpu.memory_space<hbm>>) dst(%arg10 : memref<16x1024xf32, #tpu.memory_space<vmem>>)
    %add3A_302 = arith.constant 928 : i32
    %add3A_303 = arith.addi %mul3A_2, %add3A_302 : i32
    %dma_start3A_304 = arith.constant 0 : i32
    %dma_start3A_305 = tpu.memref_slice %arg4[%add3A_303, %dma_start3A_304] : memref<32768x1024xf32, #tpu.memory_space<hbm>> -> memref<16x1024xf32, #tpu.memory_space<hbm>>
    %dma_start3A_306 = arith.constant 0 : i32
    %dma_start3A_307 = tpu.memref_slice %arg4[%add3A_303, %dma_start3A_306] : memref<32768x1024xf32, #tpu.memory_space<hbm>> -> memref<16x1024xf32, #tpu.memory_space<hbm>>
    tpu.enqueue_dma source(%arg10 : memref<16x1024xf32, #tpu.memory_space<vmem>>) target(%dma_start3A_307 : memref<16x1024xf32, #tpu.memory_space<hbm>>) target_semaphore(%arg22 : memref<!tpu.dma_semaphore, #tpu.memory_space<semaphore_mem>>)
    %add3A_308 = arith.constant 912 : i32
    %add3A_309 = arith.addi %mul3A_2, %add3A_308 : i32
    %dma_wait3A_310 = arith.constant 0 : i32
    %dma_wait3A_311 = tpu.memref_slice %arg4[%add3A_309, %dma_wait3A_310] : memref<32768x1024xf32, #tpu.memory_space<hbm>> -> memref<16x1024xf32, #tpu.memory_space<hbm>>
    %dma_wait3A_312 = arith.constant 0 : i32
    %dma_wait3A_313 = tpu.memref_slice %arg4[%add3A_309, %dma_wait3A_312] : memref<32768x1024xf32, #tpu.memory_space<hbm>> -> memref<16x1024xf32, #tpu.memory_space<hbm>>
    tpu.wait_dma2 semaphore(%arg21 : memref<!tpu.dma_semaphore, #tpu.memory_space<semaphore_mem>>) src(%arg9 : memref<16x1024xf32, #tpu.memory_space<vmem>>) dst(%dma_wait3A_313 : memref<16x1024xf32, #tpu.memory_space<hbm>>)
    %dma_start3A_314 = arith.constant 63 : i32
    %dma_start3A_315 = arith.constant 0 : i32
    %dma_start3A_316 = tpu.memref_slice %arg5[%dma_start3A_314, %dma_start3A_315] : memref<64x16xi32, #tpu.memory_space<vmem>> -> memref<1x16xi32, #tpu.memory_space<vmem>>
    %dma_start3A_317 = tpu.memref_squeeze %dma_start3A_316 : memref<1x16xi32, #tpu.memory_space<vmem>> -> memref<16xi32, #tpu.memory_space<vmem>>
    %dma_start3A_318 = arith.constant 0 : i32
    %dma_start3A_319 = arith.constant 0 : i32
    %dma_start3A_320 = tpu.memref_slice %arg3[%dma_start3A_318, %dma_start3A_319] : memref<32768x1024xf32, #tpu.memory_space<hbm>> -> memref<32768x1024xf32, #tpu.memory_space<hbm>>
    tpu.enqueue_indirect_dma source(%dma_start3A_320 : memref<32768x1024xf32, #tpu.memory_space<hbm>>) target(%arg9 : memref<16x1024xf32, #tpu.memory_space<vmem>>) offsets(%dma_start3A_317 : memref<16xi32, #tpu.memory_space<vmem>>) semaphore(%arg15 : memref<!tpu.dma_semaphore, #tpu.memory_space<semaphore_mem>>)
    %dma_wait3A_321 = arith.constant 59 : i32
    %dma_wait3A_322 = arith.constant 0 : i32
    %dma_wait3A_323 = tpu.memref_slice %arg5[%dma_wait3A_321, %dma_wait3A_322] : memref<64x16xi32, #tpu.memory_space<vmem>> -> memref<1x16xi32, #tpu.memory_space<vmem>>
    %dma_wait3A_324 = tpu.memref_squeeze %dma_wait3A_323 : memref<1x16xi32, #tpu.memory_space<vmem>> -> memref<16xi32, #tpu.memory_space<vmem>>
    %dma_wait3A_325 = arith.constant 0 : i32
    %dma_wait3A_326 = arith.constant 0 : i32
    %dma_wait3A_327 = tpu.memref_slice %arg3[%dma_wait3A_325, %dma_wait3A_326] : memref<32768x1024xf32, #tpu.memory_space<hbm>> -> memref<32768x1024xf32, #tpu.memory_space<hbm>>
    tpu.wait_indirect_dma semaphore(%arg17 : memref<!tpu.dma_semaphore, #tpu.memory_space<semaphore_mem>>) src(%dma_wait3A_327 : memref<32768x1024xf32, #tpu.memory_space<hbm>>) dst(%arg11 : memref<16x1024xf32, #tpu.memory_space<vmem>>)
    %add3A_328 = arith.constant 944 : i32
    %add3A_329 = arith.addi %mul3A_2, %add3A_328 : i32
    %dma_start3A_330 = arith.constant 0 : i32
    %dma_start3A_331 = tpu.memref_slice %arg4[%add3A_329, %dma_start3A_330] : memref<32768x1024xf32, #tpu.memory_space<hbm>> -> memref<16x1024xf32, #tpu.memory_space<hbm>>
    %dma_start3A_332 = arith.constant 0 : i32
    %dma_start3A_333 = tpu.memref_slice %arg4[%add3A_329, %dma_start3A_332] : memref<32768x1024xf32, #tpu.memory_space<hbm>> -> memref<16x1024xf32, #tpu.memory_space<hbm>>
    tpu.enqueue_dma source(%arg11 : memref<16x1024xf32, #tpu.memory_space<vmem>>) target(%dma_start3A_333 : memref<16x1024xf32, #tpu.memory_space<hbm>>) target_semaphore(%arg23 : memref<!tpu.dma_semaphore, #tpu.memory_space<semaphore_mem>>)
    %dma_wait3A_334 = arith.constant 60 : i32
    %dma_wait3A_335 = arith.constant 0 : i32
    %dma_wait3A_336 = tpu.memref_slice %arg5[%dma_wait3A_334, %dma_wait3A_335] : memref<64x16xi32, #tpu.memory_space<vmem>> -> memref<1x16xi32, #tpu.memory_space<vmem>>
    %dma_wait3A_337 = tpu.memref_squeeze %dma_wait3A_336 : memref<1x16xi32, #tpu.memory_space<vmem>> -> memref<16xi32, #tpu.memory_space<vmem>>
    %dma_wait3A_338 = arith.constant 0 : i32
    %dma_wait3A_339 = arith.constant 0 : i32
    %dma_wait3A_340 = tpu.memref_slice %arg3[%dma_wait3A_338, %dma_wait3A_339] : memref<32768x1024xf32, #tpu.memory_space<hbm>> -> memref<32768x1024xf32, #tpu.memory_space<hbm>>
    tpu.wait_indirect_dma semaphore(%arg12 : memref<!tpu.dma_semaphore, #tpu.memory_space<semaphore_mem>>) src(%dma_wait3A_340 : memref<32768x1024xf32, #tpu.memory_space<hbm>>) dst(%arg6 : memref<16x1024xf32, #tpu.memory_space<vmem>>)
    %add3A_341 = arith.constant 960 : i32
    %add3A_342 = arith.addi %mul3A_2, %add3A_341 : i32
    %dma_start3A_343 = arith.constant 0 : i32
    %dma_start3A_344 = tpu.memref_slice %arg4[%add3A_342, %dma_start3A_343] : memref<32768x1024xf32, #tpu.memory_space<hbm>> -> memref<16x1024xf32, #tpu.memory_space<hbm>>
    %dma_start3A_345 = arith.constant 0 : i32
    %dma_start3A_346 = tpu.memref_slice %arg4[%add3A_342, %dma_start3A_345] : memref<32768x1024xf32, #tpu.memory_space<hbm>> -> memref<16x1024xf32, #tpu.memory_space<hbm>>
    tpu.enqueue_dma source(%arg6 : memref<16x1024xf32, #tpu.memory_space<vmem>>) target(%dma_start3A_346 : memref<16x1024xf32, #tpu.memory_space<hbm>>) target_semaphore(%arg18 : memref<!tpu.dma_semaphore, #tpu.memory_space<semaphore_mem>>)
    %dma_wait3A_347 = arith.constant 61 : i32
    %dma_wait3A_348 = arith.constant 0 : i32
    %dma_wait3A_349 = tpu.memref_slice %arg5[%dma_wait3A_347, %dma_wait3A_348] : memref<64x16xi32, #tpu.memory_space<vmem>> -> memref<1x16xi32, #tpu.memory_space<vmem>>
    %dma_wait3A_350 = tpu.memref_squeeze %dma_wait3A_349 : memref<1x16xi32, #tpu.memory_space<vmem>> -> memref<16xi32, #tpu.memory_space<vmem>>
    %dma_wait3A_351 = arith.constant 0 : i32
    %dma_wait3A_352 = arith.constant 0 : i32
    %dma_wait3A_353 = tpu.memref_slice %arg3[%dma_wait3A_351, %dma_wait3A_352] : memref<32768x1024xf32, #tpu.memory_space<hbm>> -> memref<32768x1024xf32, #tpu.memory_space<hbm>>
    tpu.wait_indirect_dma semaphore(%arg13 : memref<!tpu.dma_semaphore, #tpu.memory_space<semaphore_mem>>) src(%dma_wait3A_353 : memref<32768x1024xf32, #tpu.memory_space<hbm>>) dst(%arg7 : memref<16x1024xf32, #tpu.memory_space<vmem>>)
    %add3A_354 = arith.constant 976 : i32
    %add3A_355 = arith.addi %mul3A_2, %add3A_354 : i32
    %dma_start3A_356 = arith.constant 0 : i32
    %dma_start3A_357 = tpu.memref_slice %arg4[%add3A_355, %dma_start3A_356] : memref<32768x1024xf32, #tpu.memory_space<hbm>> -> memref<16x1024xf32, #tpu.memory_space<hbm>>
    %dma_start3A_358 = arith.constant 0 : i32
    %dma_start3A_359 = tpu.memref_slice %arg4[%add3A_355, %dma_start3A_358] : memref<32768x1024xf32, #tpu.memory_space<hbm>> -> memref<16x1024xf32, #tpu.memory_space<hbm>>
    tpu.enqueue_dma source(%arg7 : memref<16x1024xf32, #tpu.memory_space<vmem>>) target(%dma_start3A_359 : memref<16x1024xf32, #tpu.memory_space<hbm>>) target_semaphore(%arg19 : memref<!tpu.dma_semaphore, #tpu.memory_space<semaphore_mem>>)
    %dma_wait3A_360 = arith.constant 62 : i32
    %dma_wait3A_361 = arith.constant 0 : i32
    %dma_wait3A_362 = tpu.memref_slice %arg5[%dma_wait3A_360, %dma_wait3A_361] : memref<64x16xi32, #tpu.memory_space<vmem>> -> memref<1x16xi32, #tpu.memory_space<vmem>>
    %dma_wait3A_363 = tpu.memref_squeeze %dma_wait3A_362 : memref<1x16xi32, #tpu.memory_space<vmem>> -> memref<16xi32, #tpu.memory_space<vmem>>
    %dma_wait3A_364 = arith.constant 0 : i32
    %dma_wait3A_365 = arith.constant 0 : i32
    %dma_wait3A_366 = tpu.memref_slice %arg3[%dma_wait3A_364, %dma_wait3A_365] : memref<32768x1024xf32, #tpu.memory_space<hbm>> -> memref<32768x1024xf32, #tpu.memory_space<hbm>>
    tpu.wait_indirect_dma semaphore(%arg14 : memref<!tpu.dma_semaphore, #tpu.memory_space<semaphore_mem>>) src(%dma_wait3A_366 : memref<32768x1024xf32, #tpu.memory_space<hbm>>) dst(%arg8 : memref<16x1024xf32, #tpu.memory_space<vmem>>)
    %add3A_367 = arith.constant 992 : i32
    %add3A_368 = arith.addi %mul3A_2, %add3A_367 : i32
    %dma_start3A_369 = arith.constant 0 : i32
    %dma_start3A_370 = tpu.memref_slice %arg4[%add3A_368, %dma_start3A_369] : memref<32768x1024xf32, #tpu.memory_space<hbm>> -> memref<16x1024xf32, #tpu.memory_space<hbm>>
    %dma_start3A_371 = arith.constant 0 : i32
    %dma_start3A_372 = tpu.memref_slice %arg4[%add3A_368, %dma_start3A_371] : memref<32768x1024xf32, #tpu.memory_space<hbm>> -> memref<16x1024xf32, #tpu.memory_space<hbm>>
    tpu.enqueue_dma source(%arg8 : memref<16x1024xf32, #tpu.memory_space<vmem>>) target(%dma_start3A_372 : memref<16x1024xf32, #tpu.memory_space<hbm>>) target_semaphore(%arg20 : memref<!tpu.dma_semaphore, #tpu.memory_space<semaphore_mem>>)
    %dma_wait3A_373 = arith.constant 63 : i32
    %dma_wait3A_374 = arith.constant 0 : i32
    %dma_wait3A_375 = tpu.memref_slice %arg5[%dma_wait3A_373, %dma_wait3A_374] : memref<64x16xi32, #tpu.memory_space<vmem>> -> memref<1x16xi32, #tpu.memory_space<vmem>>
    %dma_wait3A_376 = tpu.memref_squeeze %dma_wait3A_375 : memref<1x16xi32, #tpu.memory_space<vmem>> -> memref<16xi32, #tpu.memory_space<vmem>>
    %dma_wait3A_377 = arith.constant 0 : i32
    %dma_wait3A_378 = arith.constant 0 : i32
    %dma_wait3A_379 = tpu.memref_slice %arg3[%dma_wait3A_377, %dma_wait3A_378] : memref<32768x1024xf32, #tpu.memory_space<hbm>> -> memref<32768x1024xf32, #tpu.memory_space<hbm>>
    tpu.wait_indirect_dma semaphore(%arg15 : memref<!tpu.dma_semaphore, #tpu.memory_space<semaphore_mem>>) src(%dma_wait3A_379 : memref<32768x1024xf32, #tpu.memory_space<hbm>>) dst(%arg9 : memref<16x1024xf32, #tpu.memory_space<vmem>>)
    %add3A_380 = arith.constant 1008 : i32
    %add3A_381 = arith.addi %mul3A_2, %add3A_380 : i32
    %dma_start3A_382 = arith.constant 0 : i32
    %dma_start3A_383 = tpu.memref_slice %arg4[%add3A_381, %dma_start3A_382] : memref<32768x1024xf32, #tpu.memory_space<hbm>> -> memref<16x1024xf32, #tpu.memory_space<hbm>>
    %dma_start3A_384 = arith.constant 0 : i32
    %dma_start3A_385 = tpu.memref_slice %arg4[%add3A_381, %dma_start3A_384] : memref<32768x1024xf32, #tpu.memory_space<hbm>> -> memref<16x1024xf32, #tpu.memory_space<hbm>>
    tpu.enqueue_dma source(%arg9 : memref<16x1024xf32, #tpu.memory_space<vmem>>) target(%dma_start3A_385 : memref<16x1024xf32, #tpu.memory_space<hbm>>) target_semaphore(%arg21 : memref<!tpu.dma_semaphore, #tpu.memory_space<semaphore_mem>>)
    %add3A_386 = arith.constant 928 : i32
    %add3A_387 = arith.addi %mul3A_2, %add3A_386 : i32
    %dma_wait3A_388 = arith.constant 0 : i32
    %dma_wait3A_389 = tpu.memref_slice %arg4[%add3A_387, %dma_wait3A_388] : memref<32768x1024xf32, #tpu.memory_space<hbm>> -> memref<16x1024xf32, #tpu.memory_space<hbm>>
    %dma_wait3A_390 = arith.constant 0 : i32
    %dma_wait3A_391 = tpu.memref_slice %arg4[%add3A_387, %dma_wait3A_390] : memref<32768x1024xf32, #tpu.memory_space<hbm>> -> memref<16x1024xf32, #tpu.memory_space<hbm>>
    tpu.wait_dma2 semaphore(%arg22 : memref<!tpu.dma_semaphore, #tpu.memory_space<semaphore_mem>>) src(%arg10 : memref<16x1024xf32, #tpu.memory_space<vmem>>) dst(%dma_wait3A_391 : memref<16x1024xf32, #tpu.memory_space<hbm>>)
    %add3A_392 = arith.constant 944 : i32
    %add3A_393 = arith.addi %mul3A_2, %add3A_392 : i32
    %dma_wait3A_394 = arith.constant 0 : i32
    %dma_wait3A_395 = tpu.memref_slice %arg4[%add3A_393, %dma_wait3A_394] : memref<32768x1024xf32, #tpu.memory_space<hbm>> -> memref<16x1024xf32, #tpu.memory_space<hbm>>
    %dma_wait3A_396 = arith.constant 0 : i32
    %dma_wait3A_397 = tpu.memref_slice %arg4[%add3A_393, %dma_wait3A_396] : memref<32768x1024xf32, #tpu.memory_space<hbm>> -> memref<16x1024xf32, #tpu.memory_space<hbm>>
    tpu.wait_dma2 semaphore(%arg23 : memref<!tpu.dma_semaphore, #tpu.memory_space<semaphore_mem>>) src(%arg11 : memref<16x1024xf32, #tpu.memory_space<vmem>>) dst(%dma_wait3A_397 : memref<16x1024xf32, #tpu.memory_space<hbm>>)
    %add3A_398 = arith.constant 960 : i32
    %add3A_399 = arith.addi %mul3A_2, %add3A_398 : i32
    %dma_wait3A_400 = arith.constant 0 : i32
    %dma_wait3A_401 = tpu.memref_slice %arg4[%add3A_399, %dma_wait3A_400] : memref<32768x1024xf32, #tpu.memory_space<hbm>> -> memref<16x1024xf32, #tpu.memory_space<hbm>>
    %dma_wait3A_402 = arith.constant 0 : i32
    %dma_wait3A_403 = tpu.memref_slice %arg4[%add3A_399, %dma_wait3A_402] : memref<32768x1024xf32, #tpu.memory_space<hbm>> -> memref<16x1024xf32, #tpu.memory_space<hbm>>
    tpu.wait_dma2 semaphore(%arg18 : memref<!tpu.dma_semaphore, #tpu.memory_space<semaphore_mem>>) src(%arg6 : memref<16x1024xf32, #tpu.memory_space<vmem>>) dst(%dma_wait3A_403 : memref<16x1024xf32, #tpu.memory_space<hbm>>)
    %add3A_404 = arith.constant 976 : i32
    %add3A_405 = arith.addi %mul3A_2, %add3A_404 : i32
    %dma_wait3A_406 = arith.constant 0 : i32
    %dma_wait3A_407 = tpu.memref_slice %arg4[%add3A_405, %dma_wait3A_406] : memref<32768x1024xf32, #tpu.memory_space<hbm>> -> memref<16x1024xf32, #tpu.memory_space<hbm>>
    %dma_wait3A_408 = arith.constant 0 : i32
    %dma_wait3A_409 = tpu.memref_slice %arg4[%add3A_405, %dma_wait3A_408] : memref<32768x1024xf32, #tpu.memory_space<hbm>> -> memref<16x1024xf32, #tpu.memory_space<hbm>>
    tpu.wait_dma2 semaphore(%arg19 : memref<!tpu.dma_semaphore, #tpu.memory_space<semaphore_mem>>) src(%arg7 : memref<16x1024xf32, #tpu.memory_space<vmem>>) dst(%dma_wait3A_409 : memref<16x1024xf32, #tpu.memory_space<hbm>>)
    %add3A_410 = arith.constant 992 : i32
    %add3A_411 = arith.addi %mul3A_2, %add3A_410 : i32
    %dma_wait3A_412 = arith.constant 0 : i32
    %dma_wait3A_413 = tpu.memref_slice %arg4[%add3A_411, %dma_wait3A_412] : memref<32768x1024xf32, #tpu.memory_space<hbm>> -> memref<16x1024xf32, #tpu.memory_space<hbm>>
    %dma_wait3A_414 = arith.constant 0 : i32
    %dma_wait3A_415 = tpu.memref_slice %arg4[%add3A_411, %dma_wait3A_414] : memref<32768x1024xf32, #tpu.memory_space<hbm>> -> memref<16x1024xf32, #tpu.memory_space<hbm>>
    tpu.wait_dma2 semaphore(%arg20 : memref<!tpu.dma_semaphore, #tpu.memory_space<semaphore_mem>>) src(%arg8 : memref<16x1024xf32, #tpu.memory_space<vmem>>) dst(%dma_wait3A_415 : memref<16x1024xf32, #tpu.memory_space<hbm>>)
    %add3A_416 = arith.constant 1008 : i32
    %add3A_417 = arith.addi %mul3A_2, %add3A_416 : i32
    %dma_wait3A_418 = arith.constant 0 : i32
    %dma_wait3A_419 = tpu.memref_slice %arg4[%add3A_417, %dma_wait3A_418] : memref<32768x1024xf32, #tpu.memory_space<hbm>> -> memref<16x1024xf32, #tpu.memory_space<hbm>>
    %dma_wait3A_420 = arith.constant 0 : i32
    %dma_wait3A_421 = tpu.memref_slice %arg4[%add3A_417, %dma_wait3A_420] : memref<32768x1024xf32, #tpu.memory_space<hbm>> -> memref<16x1024xf32, #tpu.memory_space<hbm>>
    tpu.wait_dma2 semaphore(%arg21 : memref<!tpu.dma_semaphore, #tpu.memory_space<semaphore_mem>>) src(%arg9 : memref<16x1024xf32, #tpu.memory_space<vmem>>) dst(%dma_wait3A_421 : memref<16x1024xf32, #tpu.memory_space<hbm>>)
    return
  }
}

</mosaic_0001>

<sc_bundles>
// kernel: kernel.3.cloned.1.call-start
scs
__scs_entry_jumppad:
0x0: {  	(pc) =	sbr.rel $0x88, $3  }
0x1: {  	(tag) =	ssettag $0x0;
	lr =	simm.s32 $0x1  }
0x2: {  	[smem:$0x3F9F] =	sst lr;
	_ =	strace $0xD0000000  }
0x3: {  	_ = 	snop  }
0x4: {  	_ = 	snop  }
0x5: {  	_ = 	snop  }
0x6: {  	_ = 	snop  }
0x7: {  	_ = 	snop  }
__scs_overlays_trampoline_lowered:
0x8: {  	[smem:$0x3FAE] =	sst s0  }
0x9: {  	[smem:$0x3FAF] =	sst s1  }
0xa: {  	[smem:$0x3FB0] =	sst s2  }
0xb: {  	[smem:$0x3FB1] =	sst s3  }
0xc: {  	[smem:$0x3FB2] =	sst s4  }
0xd: {  	[smem:$0x3FB3] =	sst s5  }
0xe: {  	[smem:$0x3FB4] =	sst s6  }
0xf: {  	[smem:$0x3FB5] =	sst s7  }
0x10: {  	[smem:$0x3FB6] =	sst s8  }
0x11: {  	[smem:$0x3FB7] =	sst s9;
	s0 =	simm.s32 @!p0 $0x0  }
0x12: {  	s1 =	sld [smem:$0x3F9D];
	s0 =	simm.s32 @p0 $0x1  }
0x13: {  	[smem:$0x3FB8] =	sst s0;
	s0 =	simm.s32 @!p1 $0x0  }
0x14: {  	s2 =	sld [smem:$0x3F9C];
	s0 =	simm.s32 @p1 $0x1  }
0x15: {  	[smem:$0x3FB9] =	sst s0;
	s0 =	simm.s32 @!p2 $0x0  }
0x16: {  	s3 =	sld [smem:$0x3FDB];
	s0 =	simm.s32 @p2 $0x1  }
0x17: {  	s4 =	simm.s32 $0x1BF5;
	[smem:$0x3FBB] =	sst s0  }
0x18: {  	s0 =	sld [smem:$0x3F9E];
	_ =	swait.ge [sflag:s4], $0x0  }
0x19: {  	s7 =	sld [smem:$0x3F9F]  }
0x1a: {  	s8 =	sadd.s32 $0xFFFFE003, lr  }
0x1b: {  	s9 =	sadd.s32 $0xFFFFFEF7, lr;
	s5 =	simm.s32 $0xFFFFFFFF;
	p2 =	slt.u32 s8, $0xFFFFF086  }
0x1c: {  	p1 =	slt.u32 s9, $0xF7A;
	s5 =	simm.s32 @!p2 $0x0  }
0x1d: {  	s5 =	simm.s32 @p1 $0x1;
	p0 =	seq.s32 s7, s2  }
0x1e: {  	s7 =	smul.u32 @!p0 $0xF7A, s2;
	p2 =	seq.s32 @!p0 s5, $0x0  }
0x1f: {  	s9 =	smul.u32 $0xF7A, s1;
	s8 =	simm.s32 @!p0 $0x1BF5;
	p2 =	por !p2, p0  }
0x20: {  	[sflag:s8] =	ssyncset.s32 @!p0 $0xFFFFF086;
	s6 =	sadd.s32 @!p0 s3, s7;
	s7 =	simm.s32 @!p0 $0x108  }
0x21: {  	s3 =	sadd.s32 s3, s9;
	s6 =	sadd.s32 @!p0 $0x88, s6;
	s7 =	simm.s32 @p2 $0x1082  }
0x22: {  	[simem:s7], [sflag:s8] =	dma.local @!p0 [hbm:s6], $0xF7A  }
0x23: {  	s9 =	sor.u32 $0xD0000000, s2;
	s6 =	simm.s32 $0x108;
	_ =	swait.ge @!p0 [sflag:s8], $0x0  }
0x24: {  	s3 =	sadd.s32 $0x88, s3;
	s6 =	simm.s32 @!p1 $0x1082;
	[sflag:s4] =	ssyncset.s32 $0xFFFFF086  }
0x25: {  	[simem:s6], [sflag:s4] =	dma.local [hbm:s3], $0xF7A  }
0x26: {  	[smem:$0x3F9F] =	sst s1;
	(tag) =	ssettag s2;
	_ =	strace s9  }
0x27: {  	s1 =	sld [smem:$0x3FAF]  }
0x28: {  	s2 =	sld [smem:$0x3FB0]  }
0x29: {  	s4 =	sld [smem:$0x3FB2]  }
0x2a: {  	p0 =	seq.s32 s5, $0x0;
	s5 =	sld [smem:$0x3FB3]  }
0x2b: {  	s6 =	sld [smem:$0x3FB4]  }
0x2c: {  	s7 =	sld [smem:$0x3FB5]  }
0x2d: {  	s3 =	simm.s32 $0x108;
	s8 =	sld [smem:$0x3FB6]  }
0x2e: {  	s3 =	simm.s32 @!p0 $0x1082;
	s9 =	sld [smem:$0x3FB7]  }
0x2f: {  	lr =	sadd.s32 s0, s3;
	s0 =	sld [smem:$0x3FAE]  }
0x30: {  	s3 =	sld [smem:$0x3FB1]  }
0x31: {  	[smem:$0x3FBA] =	sst s10  }
0x32: {  	s10 =	sld [smem:$0x3FB8];
	_ =	sdelay $0x3  }
0x33: {  	p0 =	seq.s32 s10, $0x1;
	s10 =	sld [smem:$0x3FBA];
	_ =	sdelay $0x3  }
0x34: {  	[smem:$0x3FBA] =	sst s10  }
0x35: {  	s10 =	sld [smem:$0x3FB9];
	_ =	sdelay $0x3  }
0x36: {  	p1 =	seq.s32 s10, $0x1;
	s10 =	sld [smem:$0x3FBA];
	_ =	sdelay $0x3  }
0x37: {  	[smem:$0x3FBA] =	sst s10  }
0x38: {  	s10 =	sld [smem:$0x3FBB]  }
0x39: {  	_ = 	snop;
	(pc) =	sbr.ind lr, $3  }
0x3a: {  	_ = 	snop  }
0x3b: {  	_ = 	snop  }
0x3c: {  	p2 =	seq.s32 s10, $0x1;
	s10 =	sld [smem:$0x3FBA]  }
0x3d: {  	_ =	shalt  }
0x3e: {  	_ =	shalt  }
0x3f: {  	_ =	shalt  }
0x40: {  	_ =	shalt  }
0x41: {  	_ =	shalt  }
0x42: {  	_ =	shalt  }
0x43: {  	_ =	shalt  }
0x44: {  	_ =	shalt  }
0x45: {  	_ =	shalt  }
0x46: {  	_ =	shalt  }
0x47: {  	_ =	shalt  }
0x48: {  	_ =	shalt  }
0x49: {  	_ =	shalt  }
0x4a: {  	_ =	shalt  }
0x4b: {  	_ =	shalt  }
0x4c: {  	_ =	shalt  }
0x4d: {  	_ =	shalt  }
0x4e: {  	_ =	shalt  }
0x4f: {  	_ =	shalt  }
0x50: {  	_ =	shalt  }
0x51: {  	_ =	shalt  }
0x52: {  	_ =	shalt  }
0x53: {  	_ =	shalt  }
0x54: {  	_ =	shalt  }
0x55: {  	_ =	shalt  }
0x56: {  	_ =	shalt  }
0x57: {  	_ =	shalt  }
0x58: {  	_ =	shalt  }
0x59: {  	_ =	shalt  }
0x5a: {  	_ =	shalt  }
0x5b: {  	_ =	shalt  }
0x5c: {  	_ =	shalt  }
0x5d: {  	_ =	shalt  }
0x5e: {  	_ =	shalt  }
0x5f: {  	_ =	shalt  }
0x60: {  	_ =	shalt  }
0x61: {  	_ =	shalt  }
0x62: {  	_ =	shalt  }
0x63: {  	_ =	shalt  }
0x64: {  	_ =	shalt  }
0x65: {  	_ =	shalt  }
0x66: {  	_ =	shalt  }
0x67: {  	_ =	shalt  }
0x68: {  	_ =	shalt  }
0x69: {  	_ =	shalt  }
0x6a: {  	_ =	shalt  }
0x6b: {  	_ =	shalt  }
0x6c: {  	_ =	shalt  }
0x6d: {  	_ =	shalt  }
0x6e: {  	_ =	shalt  }
0x6f: {  	_ =	shalt  }
0x70: {  	_ =	shalt  }
0x71: {  	_ =	shalt  }
0x72: {  	_ =	shalt  }
0x73: {  	_ =	shalt  }
0x74: {  	_ =	shalt  }
0x75: {  	_ =	shalt  }
0x76: {  	_ =	shalt  }
0x77: {  	_ =	shalt  }
0x78: {  	_ =	shalt  }
0x79: {  	_ =	shalt  }
0x7a: {  	_ =	shalt  }
0x7b: {  	_ =	shalt  }
0x7c: {  	_ =	shalt  }
0x7d: {  	_ =	shalt  }
0x7e: {  	_ =	shalt  }
0x7f: {  	_ =	shalt  }
0x80: {  	_ =	shalt  }
0x81: {  	_ =	shalt  }
0x82: {  	_ =	shalt  }
0x83: {  	_ =	shalt  }
0x84: {  	_ =	shalt  }
0x85: {  	_ =	shalt  }
0x86: {  	_ =	shalt  }
0x87: {  	_ =	shalt  }
.Lfunc_end0:
.L_simem_size_0:
called_computation_lowered:
.L_overlay_start_0:
0x88: {  	s2 =	sld [smem:$0x3FD9]  }
0x89: {  	s3 =	sld [smem:$0x3FFE];
	_ =	sdelay $0x1  }
0x8a: {  	s1 =	srdreg.scid  }
0x8b: {  	s0 =	sand.u32 $0x1, s1  }
0x8c: {  	s17 =	sshll.u32 s0, $0xA;
	s2 =	sadd.s32 s3, s2  }
0x8d: {  	s2 =	sadd.s32 s2, s17  }
0x8e: {  	[smem:$0x3FC6] =	sst s2  }
0x8f: {  	_ = 	snop  }
0x90: {  	s2 =	sld [smem:$0x3FC8]  }
0x91: {  	s18 =	sld [smem:$0x3FD0];
	(tm) =	ssettm $0x1  }
0x92: {  	s4 =	sld [smem:$0x3FFB];
	_ =	sdelay $0x3  }
0x93: {  	_ =	strace s4  }
0x94: {  	s4 =	sld [smem:$0x3FFC];
	_ =	sdelay $0x3  }
0x95: {  	_ =	strace s4  }
0x96: {  	s4 =	sld [smem:$0x3FFD];
	_ =	sdelay $0x3  }
0x97: {  	_ =	strace s4  }
0x98: {  	_ =	strace $0x8FFFFFFF  }
0x99: {  	s19 =	sld [smem:$0x3FDB];
	_ =	sdelay $0x1  }
0x9a: {  	s5 =	simm.s32 $_scs_section_size  }
0x9b: {  	s6 =	simm.s32 $_size__tile_overlayer_lowered;
	s7 =	simm.s32 $_tile_overlayer_lowered  }
0x9c: {  	s22 =	simm.s32 $0x1BFF;
	s21 =	sshll.u32 s7, $0x1;
	s4 =	sadd.s32 s5, s19  }
0x9d: {  	s8 =	simm.s32 $0x0;
	s20 =	sshll.u32 s6, $0x1;
	s6 =	sadd.s32 s21, s4  }
0x9e: {  	[timem:s8], [sflag:s22] =	dma.local [hbm:s6], s20  }
0x9f: {  	_ =	swait.ge [sflag:s22], s20  }
0xa0: {  	s5 =	ssub.s32 $0x0, s20;
	[sflag:s22] =	ssyncset.done $0x0  }
0xa1: {  	[sflag:s22] =	ssyncadd.s32 s5;
	_ =	sdelay $0x1  }
0xa2: {  	s23 =	simm.s32 $0x1B8B  }
0xa3: {  	_ =	swait.ge [sflag:s23], $0x1  }
0xa4: {  	[sflag:s23] =	ssyncset.done $0x0  }
0xa5: {  	s25 =	simm.s32 $0x1B8E;
	s24 =	sld [smem:$0x3FFE];
	[sflag:s23] =	ssyncadd.s32 $0xFFFFFFFF  }
0xa6: {  	s26 =	simm.s32 $execute0_lowered;
	[smem:$0x3FD2] =	sst s25  }
0xa7: {  	s6 =	sshll.u32 s26, $0x1;
	_ =	strace $0x80000046;
	[dreg:$0x1] =	wrdreg $0xFFFFFFFF  }
0xa8: {  	s28 =	simm.s32 $_size_execute0_lowered;
	s4 =	sadd.s32 s4, s6;
	[dreg:$0x0] =	wrdreg $0x0  }
0xa9: {  	s6 =	sshll.u32 s28, $0x1;
	[dreg:$0x2] =	wrdreg s4  }
0xaa: {  	[dreg:$0x3] =	wrdreg s6  }
0xab: {  	[dreg:$0x4] =	wrdreg $0xC0  }
0xac: {  	_ =	task [dreg:s8], $0x5FFFF  }
0xad: {  	[dreg:$0x1] =	wrdreg $0xFFFFFFFF  }
0xae: {  	[dreg:$0x0] =	wrdreg $0x60  }
0xaf: {  	[dreg:$0x2] =	wrdreg s24  }
0xb0: {  	[dreg:$0x3] =	wrdreg s2  }
0xb1: {  	[dreg:$0x4] =	wrdreg s18  }
0xb2: {  	[dreg:$0x5] =	wrdreg $0x9  }
0xb3: {  	_ =	task.clear_ibuf [dreg:s8], $0x6FFFF;
	_ =	strace $0x90000046  }
0xb4: {  	s29 =	simm.s32 $0x9;
	_ =	strace $0x80000048  }
0xb5: {  	_ =	swait.ge [sflag:s29], $0x1  }
0xb6: {  	[sflag:s29] =	ssyncadd.s32 $0xFFFFFFFF  }
0xb7: {  	_ =	strace $0x90000048  }
0xb8: {  	_ =	sfence  }
0xb9: {  	s30 =	sld [smem:$0x0];
	_ =	sdelay $0x2  }
0xba: {  	s31 =	sshll.u32 s1, $0xD;
	s1 =	sshrl.u32 s1, $0x2  }
0xbb: {  	s3 =	sand.u32 $0x4000, s31;
	s1 =	sadd.s32 s1, s30  }
0xbc: {  	s0 =	sor.u32 s3, s0;
	s1 =	sshll.u32 s1, $0x11  }
0xbd: {  	s0 =	sor.u32 s1, s0  }
0xbe: {  	s0 =	sadd.s32 $0x8F2B, s0  }
0xbf: {  	[sflag:s0] =	ssyncadd.remote.s32 $0x1  }
0xc0: {  	_ =	sfence.sel $0xFFFF  }
0xc1: {  	[dreg:$0x0] =	wrdreg $0xFFFFFFFF;
	(pc) =	sbr.abs _section_cstart, $3  }
0xc2: {  	[dreg:$0x1] =	wrdreg $0xFFFFFFFF  }
0xc3: {  	_ =	task.clear_ibuf [dreg:s8], $0x2FFFF;
	_ =	strace $0x9FFFFFFF  }
0xc4: {  	(tm) =	ssettm $0x7FFFFFFF  }
0xc5: {  	_ =	shalt  }
tec
execute0_lowered:
.L_overlay_start_1:
0x0: {  	(tag) =	ssettag $0x1  }
0x1: {  	s0 =	rddreg [dreg:$0x0]  }
0x2: {  	s1 =	srdreg.scid;
	s9 =	stileid.u32  }
0x3: {  	s2 =	rddreg [dreg:$0x1];
	s1 =	sand.u32 $0x1, s1;
	s5 =	sshll.u32 s9, $0x1  }
0x4: {  	s4 =	rddreg [dreg:$0x2];
	s5 =	sor.u32 s1, s5  }
0x5: {  	s3 =	simm.s32 $0x0;
	s6 =	sshll.u32 s5, $0xA;
	s12 =	sshll.u32 s5, $0x11  }
0x6: {  	[smem:$0x7FF] =	sst s3;
	s0 =	sadd.s32 s6, s0;
	s10 =	sadd.s32 s4, s12  }
0x7: {  	_ =	strace $0x80000047;
	s0 =	sadd.s32 $0x400, s0;
	[dreg:$0x6] =	wrdreg s10  }
0x8: {  	s13 =	sadd.s32 $0x1000, s10;
	[dreg:$0x5] =	wrdreg s0  }
0x9: {  	s14 =	sadd.s32 $0x1800, s10;
	[dreg:$0x8] =	wrdreg s13  }
0xa: {  	s31 =	simm.s32 $0x14000;
	s15 =	sadd.s32 $0x2000, s10;
	[dreg:$0x9] =	wrdreg s14  }
0xb: {  	s28 =	simm.s32 $0xB;
	s16 =	sadd.s32 $0x2800, s10;
	[dreg:$0xa] =	wrdreg s15  }
0xc: {  	s8 =	sadd.s32 $0x300, s2;
	s17 =	sadd.s32 $0x1B000, s10;
	[dreg:$0xb] =	wrdreg s16  }
0xd: {  	s25 =	sshll.u32 s9, $0x12;
	s18 =	sadd.s32 $0x1B800, s10;
	[dreg:$0xc] =	wrdreg s17  }
0xe: {  	s7 =	ssub.s32 $0x2, s1;
	s19 =	sadd.s32 $0x1C000, s10;
	[dreg:$0xd] =	wrdreg s18  }
0xf: {  	s1 =	sshll.u32 s1, $0x11;
	s20 =	sadd.s32 $0x1C800, s10;
	[dreg:$0xe] =	wrdreg s19  }
0x10: {  	s11 =	sshrl.u32 s7, $0x1;
	s21 =	sadd.s32 $0x1D000, s10;
	[dreg:$0xf] =	wrdreg s20  }
0x11: {  	s5 =	sadd.s32 $0x100, s2;
	s22 =	sadd.s32 $0x1D800, s10;
	[dreg:$0x10] =	wrdreg s21  }
0x12: {  	s7 =	ssub.s32 s7, s11;
	s23 =	sadd.s32 $0x1E000, s10;
	[dreg:$0x11] =	wrdreg s22  }
0x13: {  	s6 =	sadd.s32 $0x200, s2;
	s24 =	sadd.s32 $0x1E800, s10;
	[dreg:$0x12] =	wrdreg s23  }
0x14: {  	s11 =	simm.s32 $0x9;
	s26 =	sadd.s32 $0x1F000, s10;
	[dreg:$0x13] =	wrdreg s24  }
0x15: {  	s12 =	simm.s32 $0x6;
	s29 =	sadd.s32 $0x1F800, s10;
	[dreg:$0x14] =	wrdreg s26  }
0x16: {  	s30 =	smax.u32 s7, $0x1;
	s0 =	sadd.s32 $0x800, s10;
	[dreg:$0x15] =	wrdreg s29  }
0x17: {  	[dreg:$0x16] =	wrdreg s30;
	s14 =	simm.s32 $0x13800;
	s21 =	simm.s32 $0x1  }
0x18: {  	s15 =	simm.s32 $0x2;
	s22 =	simm.s32 $0x7;
	s10 =	simm.s32 $0x3  }
0x19: {  	s23 =	simm.s32 $0x8;
	s24 =	simm.s32 $0x4;
	s18 =	simm.s32 $0x5  }
0x1a: {  	v2 =	vlaneseq.u32;
	s19 =	simm.s32 $0xC;
	[dreg:$0x7] =	wrdreg s0;
	s0 =	sadd.s32 s25, s4  }
0x1b: {  	vm0 =	vmmov $0xffff;
	v1 =	vshrl.u32 v2, $0x3;
	s20 =	simm.s32 $0x0;
	s25 =	simm.s32 $0xA;
	s0 =	sadd.s32 s1, s0  }
0x1c: {  	v0 =	vand.u32 $0x7, v2;
	v2 =	vor.u32 $0x8, v2;
	v1 =	vmul.u32 $0x8, v1;
	s1 =	simm.s32 $0x13000;
	[dreg:$0x4] =	wrdreg s0;
	s0 =	simm.s32 $0x12800  }
.LBB2_1:
0x1d: {  	[dreg:$0x17] =	wrdreg s20  }
0x1e: {  	s13 =	rddreg [dreg:$0x5];
	s16 =	simm.s32 $0xD  }
0x1f: {  	[tilespmem:s3], [sflag:$0xD] =	stream.linear.gather [hbm4b:s13+s3], $0x2000, $0x38;
	[tilespmem:$0x1A000] =	vst v63  }
0x20: {  	_ =	swait.ge [sflag:s16], $0x2000  }
0x21: {  	[sflag:s16] =	ssyncset.done $0x0  }
0x22: {  	[sflag:s16] =	ssyncadd.s32 $0xFFFFE000  }
0x23: {  	v3 =	vld [tilespmem:$0x0];
	_ =	sdelay $0x4  }
0x24: {  	v4 =	vshll.u32 v3, $0x3  }
0x25: {  	v3 =	vand.u32 $0x7, v3;
	v4 =	vand.u32 $0xFFFFFFC0, v4  }
0x26: {  	v3 =	vor.u32 v3, v4  }
0x27: {  	v4 =	vperm.xlane v3, v0;
	_ =	sdelay $0x1  }
0x28: {  	v4 =	vadd.s32 v1, v4;
	_ =	sdelay $0x3  }
0x29: {  	s26 =	simm.s32 $0x2000  }
0x2a: {  	[tilespmem:s26], [sflag:$0x1] =	stream.indirect_vreg.gather [hbm4b:s2+s3], $0x80, v4, vm0, $0xb8;
	[tilespmem:$0x1A000] =	vst v63  }
0x2b: {  	s20 =	simm.s32 $0x2800;
	v3 =	vperm.xlane v3, v2  }
0x2c: {  	[tilespmem:s20], [sflag:$0x1] =	stream.indirect_vreg.gather [hbm4b:s5+s3], $0x80, v4, vm0, $0xb8;
	[tilespmem:$0x1A000] =	vst v63  }
0x2d: {  	s29 =	simm.s32 $0x3000;
	v3 =	vadd.s32 v1, v3  }
0x2e: {  	[tilespmem:s29], [sflag:$0x1] =	stream.indirect_vreg.gather [hbm4b:s6+s3], $0x80, v4, vm0, $0xb8;
	[tilespmem:$0x1A000] =	vst v63  }
0x2f: {  	s30 =	simm.s32 $0x3800  }
0x30: {  	[tilespmem:s30], [sflag:$0x1] =	stream.indirect_vreg.gather [hbm4b:s8+s3], $0x80, v4, vm0, $0xb8;
	[tilespmem:$0x1A000] =	vst v63  }
0x31: {  	s4 =	simm.s32 $0x4000  }
0x32: {  	[tilespmem:s4], [sflag:$0x1] =	stream.indirect_vreg.gather [hbm4b:s2+s3], $0x80, v3, vm0, $0xb8;
	[tilespmem:$0x1A000] =	vst v63  }
0x33: {  	s17 =	simm.s32 $0x4800  }
0x34: {  	[tilespmem:s17], [sflag:$0x1] =	stream.indirect_vreg.gather [hbm4b:s5+s3], $0x80, v3, vm0, $0xb8;
	[tilespmem:$0x1A000] =	vst v63  }
0x35: {  	s7 =	simm.s32 $0x5000  }
0x36: {  	[tilespmem:s7], [sflag:$0x1] =	stream.indirect_vreg.gather [hbm4b:s6+s3], $0x80, v3, vm0, $0xb8;
	[tilespmem:$0x1A000] =	vst v63  }
0x37: {  	s9 =	simm.s32 $0x5800  }
0x38: {  	[tilespmem:s9], [sflag:$0x1] =	stream.indirect_vreg.gather [hbm4b:s8+s3], $0x80, v3, vm0, $0xb8;
	[tilespmem:$0x1A000] =	vst v63  }
0x39: {  	v3 =	vld [tilespmem:$0x80];
	_ =	sdelay $0x4  }
0x3a: {  	v54 =	vshll.u32 v3, $0x3  }
0x3b: {  	v3 =	vand.u32 $0x7, v3;
	v4 =	vand.u32 $0xFFFFFFC0, v54  }
0x3c: {  	v3 =	vor.u32 v3, v4  }
0x3d: {  	v4 =	vperm.xlane v3, v0;
	_ =	sdelay $0x1  }
0x3e: {  	v4 =	vadd.s32 v1, v4;
	_ =	sdelay $0x3  }
0x3f: {  	s9 =	simm.s32 $0x6000  }
0x40: {  	[tilespmem:s9], [sflag:$0x2] =	stream.indirect_vreg.gather [hbm4b:s2+s3], $0x80, v4, vm0, $0xb8;
	[tilespmem:$0x1A000] =	vst v63  }
0x41: {  	s13 =	simm.s32 $0x6800;
	v3 =	vperm.xlane v3, v2  }
0x42: {  	[tilespmem:s13], [sflag:$0x2] =	stream.indirect_vreg.gather [hbm4b:s5+s3], $0x80, v4, vm0, $0xb8;
	[tilespmem:$0x1A000] =	vst v63  }
0x43: {  	s16 =	simm.s32 $0x7000;
	v3 =	vadd.s32 v1, v3  }
0x44: {  	[tilespmem:s16], [sflag:$0x2] =	stream.indirect_vreg.gather [hbm4b:s6+s3], $0x80, v4, vm0, $0xb8;
	[tilespmem:$0x1A000] =	vst v63  }
0x45: {  	s17 =	simm.s32 $0x7800  }
0x46: {  	[tilespmem:s17], [sflag:$0x2] =	stream.indirect_vreg.gather [hbm4b:s8+s3], $0x80, v4, vm0, $0xb8;
	[tilespmem:$0x1A000] =	vst v63  }
0x47: {  	s7 =	simm.s32 $0x8000  }
0x48: {  	[tilespmem:s7], [sflag:$0x2] =	stream.indirect_vreg.gather [hbm4b:s2+s3], $0x80, v3, vm0, $0xb8;
	[tilespmem:$0x1A000] =	vst v63  }
0x49: {  	s13 =	simm.s32 $0x8800  }
0x4a: {  	[tilespmem:s13], [sflag:$0x2] =	stream.indirect_vreg.gather [hbm4b:s5+s3], $0x80, v3, vm0, $0xb8;
	[tilespmem:$0x1A000] =	vst v63  }
0x4b: {  	s16 =	simm.s32 $0x9000  }
0x4c: {  	[tilespmem:s16], [sflag:$0x2] =	stream.indirect_vreg.gather [hbm4b:s6+s3], $0x80, v3, vm0, $0xb8;
	[tilespmem:$0x1A000] =	vst v63  }
0x4d: {  	s17 =	simm.s32 $0x9800  }
0x4e: {  	[tilespmem:s17], [sflag:$0x2] =	stream.indirect_vreg.gather [hbm4b:s8+s3], $0x80, v3, vm0, $0xb8;
	[tilespmem:$0x1A000] =	vst v63  }
0x4f: {  	v3 =	vld [tilespmem:$0x100];
	_ =	sdelay $0x4  }
0x50: {  	v55 =	vshll.u32 v3, $0x3  }
0x51: {  	v3 =	vand.u32 $0x7, v3;
	v4 =	vand.u32 $0xFFFFFFC0, v55  }
0x52: {  	v3 =	vor.u32 v3, v4  }
0x53: {  	v4 =	vperm.xlane v3, v0;
	_ =	sdelay $0x1  }
0x54: {  	v4 =	vadd.s32 v1, v4;
	_ =	sdelay $0x3  }
0x55: {  	s17 =	simm.s32 $0xA000  }
0x56: {  	[tilespmem:s17], [sflag:$0x3] =	stream.indirect_vreg.gather [hbm4b:s2+s3], $0x80, v4, vm0, $0xb8;
	[tilespmem:$0x1A000] =	vst v63  }
0x57: {  	s7 =	simm.s32 $0xA800;
	v3 =	vperm.xlane v3, v2  }
0x58: {  	[tilespmem:s7], [sflag:$0x3] =	stream.indirect_vreg.gather [hbm4b:s5+s3], $0x80, v4, vm0, $0xb8;
	[tilespmem:$0x1A000] =	vst v63  }
0x59: {  	s13 =	simm.s32 $0xB000;
	v3 =	vadd.s32 v1, v3  }
0x5a: {  	[tilespmem:s13], [sflag:$0x3] =	stream.indirect_vreg.gather [hbm4b:s6+s3], $0x80, v4, vm0, $0xb8;
	[tilespmem:$0x1A000] =	vst v63  }
0x5b: {  	s16 =	simm.s32 $0xB800  }
0x5c: {  	[tilespmem:s16], [sflag:$0x3] =	stream.indirect_vreg.gather [hbm4b:s8+s3], $0x80, v4, vm0, $0xb8;
	[tilespmem:$0x1A000] =	vst v63  }
0x5d: {  	s7 =	simm.s32 $0xC000  }
0x5e: {  	[tilespmem:s7], [sflag:$0x3] =	stream.indirect_vreg.gather [hbm4b:s2+s3], $0x80, v3, vm0, $0xb8;
	[tilespmem:$0x1A000] =	vst v63  }
0x5f: {  	s13 =	simm.s32 $0xC800  }
0x60: {  	[tilespmem:s13], [sflag:$0x3] =	stream.indirect_vreg.gather [hbm4b:s5+s3], $0x80, v3, vm0, $0xb8;
	[tilespmem:$0x1A000] =	vst v63  }
0x61: {  	s16 =	simm.s32 $0xD000  }
0x62: {  	[tilespmem:s16], [sflag:$0x3] =	stream.indirect_vreg.gather [hbm4b:s6+s3], $0x80, v3, vm0, $0xb8;
	[tilespmem:$0x1A000] =	vst v63  }
0x63: {  	s7 =	simm.s32 $0xD800  }
0x64: {  	[tilespmem:s7], [sflag:$0x3] =	stream.indirect_vreg.gather [hbm4b:s8+s3], $0x80, v3, vm0, $0xb8;
	[tilespmem:$0x1A000] =	vst v63  }
0x65: {  	v3 =	vld [tilespmem:$0x180];
	_ =	sdelay $0x4  }
0x66: {  	v56 =	vshll.u32 v3, $0x3  }
0x67: {  	v3 =	vand.u32 $0x7, v3;
	v4 =	vand.u32 $0xFFFFFFC0, v56  }
0x68: {  	v3 =	vor.u32 v3, v4  }
0x69: {  	v4 =	vperm.xlane v3, v0;
	_ =	sdelay $0x1  }
0x6a: {  	v4 =	vadd.s32 v1, v4;
	_ =	sdelay $0x3  }
0x6b: {  	s16 =	simm.s32 $0xE000  }
0x6c: {  	[tilespmem:s16], [sflag:$0x4] =	stream.indirect_vreg.gather [hbm4b:s2+s3], $0x80, v4, vm0, $0xb8;
	[tilespmem:$0x1A000] =	vst v63  }
0x6d: {  	s13 =	simm.s32 $0xE800;
	v3 =	vperm.xlane v3, v2  }
0x6e: {  	[tilespmem:s13], [sflag:$0x4] =	stream.indirect_vreg.gather [hbm4b:s5+s3], $0x80, v4, vm0, $0xb8;
	[tilespmem:$0x1A000] =	vst v63  }
0x6f: {  	s7 =	simm.s32 $0xF000;
	v3 =	vadd.s32 v1, v3  }
0x70: {  	[tilespmem:s7], [sflag:$0x4] =	stream.indirect_vreg.gather [hbm4b:s6+s3], $0x80, v4, vm0, $0xb8;
	[tilespmem:$0x1A000] =	vst v63  }
0x71: {  	s13 =	simm.s32 $0xF800  }
0x72: {  	[tilespmem:s13], [sflag:$0x4] =	stream.indirect_vreg.gather [hbm4b:s8+s3], $0x80, v4, vm0, $0xb8;
	[tilespmem:$0x1A000] =	vst v63  }
0x73: {  	s7 =	simm.s32 $0x10000  }
0x74: {  	[tilespmem:s7], [sflag:$0x4] =	stream.indirect_vreg.gather [hbm4b:s2+s3], $0x80, v3, vm0, $0xb8;
	[tilespmem:$0x1A000] =	vst v63  }
0x75: {  	s13 =	simm.s32 $0x10800  }
0x76: {  	[tilespmem:s13], [sflag:$0x4] =	stream.indirect_vreg.gather [hbm4b:s5+s3], $0x80, v3, vm0, $0xb8;
	[tilespmem:$0x1A000] =	vst v63  }
0x77: {  	s7 =	simm.s32 $0x11000  }
0x78: {  	[tilespmem:s7], [sflag:$0x4] =	stream.indirect_vreg.gather [hbm4b:s6+s3], $0x80, v3, vm0, $0xb8;
	[tilespmem:$0x1A000] =	vst v63  }
0x79: {  	s13 =	simm.s32 $0x11800  }
0x7a: {  	[tilespmem:s13], [sflag:$0x4] =	stream.indirect_vreg.gather [hbm4b:s8+s3], $0x80, v3, vm0, $0xb8;
	[tilespmem:$0x1A000] =	vst v63  }
0x7b: {  	v3 =	vld [tilespmem:$0x200];
	_ =	sdelay $0x4  }
0x7c: {  	v57 =	vshll.u32 v3, $0x3  }
0x7d: {  	v3 =	vand.u32 $0x7, v3;
	v4 =	vand.u32 $0xFFFFFFC0, v57  }
0x7e: {  	v3 =	vor.u32 v3, v4  }
0x7f: {  	v4 =	vperm.xlane v3, v0;
	_ =	sdelay $0x1  }
0x80: {  	v4 =	vadd.s32 v1, v4;
	_ =	sdelay $0x3  }
0x81: {  	s4 =	simm.s32 $0x12000  }
0x82: {  	[tilespmem:s4], [sflag:$0x5] =	stream.indirect_vreg.gather [hbm4b:s2+s3], $0x80, v4, vm0, $0xb8;
	[tilespmem:$0x1A000] =	vst v63  }
0x83: {  	v3 =	vperm.xlane v3, v2  }
0x84: {  	[tilespmem:s0], [sflag:$0x5] =	stream.indirect_vreg.gather [hbm4b:s5+s3], $0x80, v4, vm0, $0xb8;
	[tilespmem:$0x1A000] =	vst v63  }
0x85: {  	v3 =	vadd.s32 v1, v3  }
0x86: {  	[tilespmem:s1], [sflag:$0x5] =	stream.indirect_vreg.gather [hbm4b:s6+s3], $0x80, v4, vm0, $0xb8;
	[tilespmem:$0x1A000] =	vst v63  }
0x87: {  	_ = 	snop  }
0x88: {  	[tilespmem:s14], [sflag:$0x5] =	stream.indirect_vreg.gather [hbm4b:s8+s3], $0x80, v4, vm0, $0xb8;
	[tilespmem:$0x1A000] =	vst v63  }
0x89: {  	_ = 	snop  }
0x8a: {  	[tilespmem:s31], [sflag:$0x5] =	stream.indirect_vreg.gather [hbm4b:s2+s3], $0x80, v3, vm0, $0xb8;
	[tilespmem:$0x1A000] =	vst v63  }
0x8b: {  	s1 =	simm.s32 $0x14800  }
0x8c: {  	[tilespmem:s1], [sflag:$0x5] =	stream.indirect_vreg.gather [hbm4b:s5+s3], $0x80, v3, vm0, $0xb8;
	[tilespmem:$0x1A000] =	vst v63  }
0x8d: {  	s7 =	simm.s32 $0x15000  }
0x8e: {  	[tilespmem:s7], [sflag:$0x5] =	stream.indirect_vreg.gather [hbm4b:s6+s3], $0x80, v3, vm0, $0xb8;
	[tilespmem:$0x1A000] =	vst v63  }
0x8f: {  	s13 =	simm.s32 $0x15800  }
0x90: {  	[tilespmem:s13], [sflag:$0x5] =	stream.indirect_vreg.gather [hbm4b:s8+s3], $0x80, v3, vm0, $0xb8;
	[tilespmem:$0x1A000] =	vst v63  }
0x91: {  	v3 =	vld [tilespmem:$0x280];
	_ =	sdelay $0x4  }
0x92: {  	v58 =	vshll.u32 v3, $0x3  }
0x93: {  	v3 =	vand.u32 $0x7, v3;
	v4 =	vand.u32 $0xFFFFFFC0, v58  }
0x94: {  	v3 =	vor.u32 v3, v4  }
0x95: {  	v4 =	vperm.xlane v3, v0;
	_ =	sdelay $0x1  }
0x96: {  	v4 =	vadd.s32 v1, v4;
	_ =	sdelay $0x3  }
0x97: {  	s7 =	simm.s32 $0x16000  }
0x98: {  	[tilespmem:s7], [sflag:$0x6] =	stream.indirect_vreg.gather [hbm4b:s2+s3], $0x80, v4, vm0, $0xb8;
	[tilespmem:$0x1A000] =	vst v63  }
0x99: {  	s14 =	simm.s32 $0x16800;
	v3 =	vperm.xlane v3, v2  }
0x9a: {  	[tilespmem:s14], [sflag:$0x6] =	stream.indirect_vreg.gather [hbm4b:s5+s3], $0x80, v4, vm0, $0xb8;
	[tilespmem:$0x1A000] =	vst v63  }
0x9b: {  	s1 =	simm.s32 $0x17000;
	v3 =	vadd.s32 v1, v3  }
0x9c: {  	[tilespmem:s1], [sflag:$0x6] =	stream.indirect_vreg.gather [hbm4b:s6+s3], $0x80, v4, vm0, $0xb8;
	[tilespmem:$0x1A000] =	vst v63  }
0x9d: {  	s13 =	simm.s32 $0x17800  }
0x9e: {  	[tilespmem:s13], [sflag:$0x6] =	stream.indirect_vreg.gather [hbm4b:s8+s3], $0x80, v4, vm0, $0xb8;
	[tilespmem:$0x1A000] =	vst v63  }
0x9f: {  	s14 =	simm.s32 $0x18000  }
0xa0: {  	[tilespmem:s14], [sflag:$0x6] =	stream.indirect_vreg.gather [hbm4b:s2+s3], $0x80, v3, vm0, $0xb8;
	[tilespmem:$0x1A000] =	vst v63  }
0xa1: {  	s1 =	simm.s32 $0x18800  }
0xa2: {  	[tilespmem:s1], [sflag:$0x6] =	stream.indirect_vreg.gather [hbm4b:s5+s3], $0x80, v3, vm0, $0xb8;
	[tilespmem:$0x1A000] =	vst v63  }
0xa3: {  	s13 =	simm.s32 $0x19000  }
0xa4: {  	[tilespmem:s13], [sflag:$0x6] =	stream.indirect_vreg.gather [hbm4b:s6+s3], $0x80, v3, vm0, $0xb8;
	[tilespmem:$0x1A000] =	vst v63  }
0xa5: {  	s14 =	simm.s32 $0x19800  }
0xa6: {  	[tilespmem:s14], [sflag:$0x6] =	stream.indirect_vreg.gather [hbm4b:s8+s3], $0x80, v3, vm0, $0xb8;
	[tilespmem:$0x1A000] =	vst v63  }
0xa7: {  	_ =	swait.ge [sflag:s21], $0x4000  }
0xa8: {  	[sflag:s21] =	ssyncset.done $0x0  }
0xa9: {  	s1 =	rddreg [dreg:$0x6];
	[sflag:s21] =	ssyncadd.s32 $0xFFFFC000  }
0xaa: {  	[hbm4b:s1+s3] =	stream.linear.scatter [tilespmem:s26], [sflag:$0x7], $0x4000, $0x38;
	[tilespmem:$0x1A000] =	vst v63  }
0xab: {  	_ =	swait.ge [sflag:s15], $0x4000  }
0xac: {  	[sflag:s15] =	ssyncset.done $0x0  }
0xad: {  	s14 =	rddreg [dreg:$0x7];
	[sflag:s15] =	ssyncadd.s32 $0xFFFFC000  }
0xae: {  	[hbm4b:s14+s3] =	stream.linear.scatter [tilespmem:s9], [sflag:$0x8], $0x4000, $0x38;
	[tilespmem:$0x1A000] =	vst v63  }
0xaf: {  	_ =	swait.ge [sflag:s22], $0x4000  }
0xb0: {  	[sflag:s22] =	ssyncset.done $0x0  }
0xb1: {  	[sflag:s22] =	ssyncadd.s32 $0xFFFFC000  }
0xb2: {  	v3 =	vld [tilespmem:$0x300];
	_ =	sdelay $0x4  }
0xb3: {  	v59 =	vshll.u32 v3, $0x3  }
0xb4: {  	v3 =	vand.u32 $0x7, v3;
	v4 =	vand.u32 $0xFFFFFFC0, v59  }
0xb5: {  	v3 =	vor.u32 v3, v4  }
0xb6: {  	v4 =	vperm.xlane v3, v0;
	_ =	sdelay $0x1  }
0xb7: {  	v4 =	vadd.s32 v1, v4;
	_ =	sdelay $0x4  }
0xb8: {  	[tilespmem:s26], [sflag:$0x1] =	stream.indirect_vreg.gather [hbm4b:s2+s3], $0x80, v4, vm0, $0xb8;
	[tilespmem:$0x1A000] =	vst v63  }
0xb9: {  	v3 =	vperm.xlane v3, v2  }
0xba: {  	[tilespmem:s20], [sflag:$0x1] =	stream.indirect_vreg.gather [hbm4b:s5+s3], $0x80, v4, vm0, $0xb8;
	[tilespmem:$0x1A000] =	vst v63  }
0xbb: {  	v3 =	vadd.s32 v1, v3  }
0xbc: {  	[tilespmem:s29], [sflag:$0x1] =	stream.indirect_vreg.gather [hbm4b:s6+s3], $0x80, v4, vm0, $0xb8;
	[tilespmem:$0x1A000] =	vst v63  }
0xbd: {  	_ = 	snop  }
0xbe: {  	[tilespmem:s30], [sflag:$0x1] =	stream.indirect_vreg.gather [hbm4b:s8+s3], $0x80, v4, vm0, $0xb8;
	[tilespmem:$0x1A000] =	vst v63  }
0xbf: {  	s30 =	simm.s32 $0x4000  }
0xc0: {  	[tilespmem:s30], [sflag:$0x1] =	stream.indirect_vreg.gather [hbm4b:s2+s3], $0x80, v3, vm0, $0xb8;
	[tilespmem:$0x1A000] =	vst v63  }
0xc1: {  	s20 =	simm.s32 $0x4800  }
0xc2: {  	[tilespmem:s20], [sflag:$0x1] =	stream.indirect_vreg.gather [hbm4b:s5+s3], $0x80, v3, vm0, $0xb8;
	[tilespmem:$0x1A000] =	vst v63  }
0xc3: {  	s26 =	simm.s32 $0x5000  }
0xc4: {  	[tilespmem:s26], [sflag:$0x1] =	stream.indirect_vreg.gather [hbm4b:s6+s3], $0x80, v3, vm0, $0xb8;
	[tilespmem:$0x1A000] =	vst v63  }
0xc5: {  	s30 =	simm.s32 $0x5800  }
0xc6: {  	[tilespmem:s30], [sflag:$0x1] =	stream.indirect_vreg.gather [hbm4b:s8+s3], $0x80, v3, vm0, $0xb8;
	[tilespmem:$0x1A000] =	vst v63  }
0xc7: {  	_ =	swait.ge [sflag:s10], $0x4000  }
0xc8: {  	[sflag:s10] =	ssyncset.done $0x0  }
0xc9: {  	s20 =	rddreg [dreg:$0x8];
	[sflag:s10] =	ssyncadd.s32 $0xFFFFC000  }
0xca: {  	[hbm4b:s20+s3] =	stream.linear.scatter [tilespmem:s17], [sflag:$0x9], $0x4000, $0x38;
	[tilespmem:$0x1A000] =	vst v63  }
0xcb: {  	_ =	swait.ge [sflag:s23], $0x4000  }
0xcc: {  	[sflag:s23] =	ssyncset.done $0x0  }
0xcd: {  	[sflag:s23] =	ssyncadd.s32 $0xFFFFC000  }
0xce: {  	v3 =	vld [tilespmem:$0x380];
	_ =	sdelay $0x4  }
0xcf: {  	v60 =	vshll.u32 v3, $0x3  }
0xd0: {  	v3 =	vand.u32 $0x7, v3;
	v4 =	vand.u32 $0xFFFFFFC0, v60  }
0xd1: {  	v3 =	vor.u32 v3, v4  }
0xd2: {  	v4 =	vperm.xlane v3, v0;
	_ =	sdelay $0x1  }
0xd3: {  	v4 =	vadd.s32 v1, v4;
	_ =	sdelay $0x4  }
0xd4: {  	[tilespmem:s9], [sflag:$0x2] =	stream.indirect_vreg.gather [hbm4b:s2+s3], $0x80, v4, vm0, $0xb8;
	[tilespmem:$0x1A000] =	vst v63  }
0xd5: {  	s26 =	simm.s32 $0x6800;
	v3 =	vperm.xlane v3, v2  }
0xd6: {  	[tilespmem:s26], [sflag:$0x2] =	stream.indirect_vreg.gather [hbm4b:s5+s3], $0x80, v4, vm0, $0xb8;
	[tilespmem:$0x1A000] =	vst v63  }
0xd7: {  	s30 =	simm.s32 $0x7000;
	v3 =	vadd.s32 v1, v3  }
0xd8: {  	[tilespmem:s30], [sflag:$0x2] =	stream.indirect_vreg.gather [hbm4b:s6+s3], $0x80, v4, vm0, $0xb8;
	[tilespmem:$0x1A000] =	vst v63  }
0xd9: {  	s13 =	simm.s32 $0x7800  }
0xda: {  	[tilespmem:s13], [sflag:$0x2] =	stream.indirect_vreg.gather [hbm4b:s8+s3], $0x80, v4, vm0, $0xb8;
	[tilespmem:$0x1A000] =	vst v63  }
0xdb: {  	s20 =	simm.s32 $0x8000  }
0xdc: {  	[tilespmem:s20], [sflag:$0x2] =	stream.indirect_vreg.gather [hbm4b:s2+s3], $0x80, v3, vm0, $0xb8;
	[tilespmem:$0x1A000] =	vst v63  }
0xdd: {  	s26 =	simm.s32 $0x8800  }
0xde: {  	[tilespmem:s26], [sflag:$0x2] =	stream.indirect_vreg.gather [hbm4b:s5+s3], $0x80, v3, vm0, $0xb8;
	[tilespmem:$0x1A000] =	vst v63  }
0xdf: {  	s30 =	simm.s32 $0x9000  }
0xe0: {  	[tilespmem:s30], [sflag:$0x2] =	stream.indirect_vreg.gather [hbm4b:s6+s3], $0x80, v3, vm0, $0xb8;
	[tilespmem:$0x1A000] =	vst v63  }
0xe1: {  	s13 =	simm.s32 $0x9800  }
0xe2: {  	[tilespmem:s13], [sflag:$0x2] =	stream.indirect_vreg.gather [hbm4b:s8+s3], $0x80, v3, vm0, $0xb8;
	[tilespmem:$0x1A000] =	vst v63  }
0xe3: {  	_ =	swait.ge [sflag:s24], $0x4000  }
0xe4: {  	[sflag:s24] =	ssyncset.done $0x0  }
0xe5: {  	s20 =	rddreg [dreg:$0x9];
	[sflag:s24] =	ssyncadd.s32 $0xFFFFC000  }
0xe6: {  	[hbm4b:s20+s3] =	stream.linear.scatter [tilespmem:s16], [sflag:$0xA], $0x4000, $0x38;
	[tilespmem:$0x1A000] =	vst v63  }
0xe7: {  	_ =	swait.ge [sflag:s11], $0x4000  }
0xe8: {  	[sflag:s11] =	ssyncset.done $0x0  }
0xe9: {  	[sflag:s11] =	ssyncadd.s32 $0xFFFFC000  }
0xea: {  	v3 =	vld [tilespmem:$0x400];
	_ =	sdelay $0x4  }
0xeb: {  	v61 =	vshll.u32 v3, $0x3  }
0xec: {  	v3 =	vand.u32 $0x7, v3;
	v4 =	vand.u32 $0xFFFFFFC0, v61  }
0xed: {  	v3 =	vor.u32 v3, v4  }
0xee: {  	v4 =	vperm.xlane v3, v0;
	_ =	sdelay $0x1  }
0xef: {  	v4 =	vadd.s32 v1, v4;
	_ =	sdelay $0x4  }
0xf0: {  	[tilespmem:s17], [sflag:$0x3] =	stream.indirect_vreg.gather [hbm4b:s2+s3], $0x80, v4, vm0, $0xb8;
	[tilespmem:$0x1A000] =	vst v63  }
0xf1: {  	s26 =	simm.s32 $0xA800;
	v3 =	vperm.xlane v3, v2  }
0xf2: {  	[tilespmem:s26], [sflag:$0x3] =	stream.indirect_vreg.gather [hbm4b:s5+s3], $0x80, v4, vm0, $0xb8;
	[tilespmem:$0x1A000] =	vst v63  }
0xf3: {  	s30 =	simm.s32 $0xB000;
	v3 =	vadd.s32 v1, v3  }
0xf4: {  	[tilespmem:s30], [sflag:$0x3] =	stream.indirect_vreg.gather [hbm4b:s6+s3], $0x80, v4, vm0, $0xb8;
	[tilespmem:$0x1A000] =	vst v63  }
0xf5: {  	s13 =	simm.s32 $0xB800  }
0xf6: {  	[tilespmem:s13], [sflag:$0x3] =	stream.indirect_vreg.gather [hbm4b:s8+s3], $0x80, v4, vm0, $0xb8;
	[tilespmem:$0x1A000] =	vst v63  }
0xf7: {  	s17 =	simm.s32 $0xC000  }
0xf8: {  	[tilespmem:s17], [sflag:$0x3] =	stream.indirect_vreg.gather [hbm4b:s2+s3], $0x80, v3, vm0, $0xb8;
	[tilespmem:$0x1A000] =	vst v63  }
0xf9: {  	s20 =	simm.s32 $0xC800  }
0xfa: {  	[tilespmem:s20], [sflag:$0x3] =	stream.indirect_vreg.gather [hbm4b:s5+s3], $0x80, v3, vm0, $0xb8;
	[tilespmem:$0x1A000] =	vst v63  }
0xfb: {  	s26 =	simm.s32 $0xD000  }
0xfc: {  	[tilespmem:s26], [sflag:$0x3] =	stream.indirect_vreg.gather [hbm4b:s6+s3], $0x80, v3, vm0, $0xb8;
	[tilespmem:$0x1A000] =	vst v63  }
0xfd: {  	s30 =	simm.s32 $0xD800  }
0xfe: {  	[tilespmem:s30], [sflag:$0x3] =	stream.indirect_vreg.gather [hbm4b:s8+s3], $0x80, v3, vm0, $0xb8;
	[tilespmem:$0x1A000] =	vst v63  }
0xff: {  	_ =	swait.ge [sflag:s18], $0x4000  }
0x100: {  	[sflag:s18] =	ssyncset.done $0x0  }
0x101: {  	s9 =	rddreg [dreg:$0xa];
	[sflag:s18] =	ssyncadd.s32 $0xFFFFC000  }
0x102: {  	[hbm4b:s9+s3] =	stream.linear.scatter [tilespmem:s4], [sflag:$0xB], $0x4000, $0x38;
	[tilespmem:$0x1A000] =	vst v63  }
0x103: {  	_ =	swait.ge [sflag:s25], $0x4000  }
0x104: {  	[sflag:s25] =	ssyncset.done $0x0  }
0x105: {  	[sflag:s25] =	ssyncadd.s32 $0xFFFFC000  }
0x106: {  	v3 =	vld [tilespmem:$0x480];
	_ =	sdelay $0x4  }
0x107: {  	v62 =	vshll.u32 v3, $0x3  }
0x108: {  	v3 =	vand.u32 $0x7, v3;
	v4 =	vand.u32 $0xFFFFFFC0, v62  }
0x109: {  	v3 =	vor.u32 v3, v4  }
0x10a: {  	v4 =	vperm.xlane v3, v0;
	_ =	sdelay $0x1  }
0x10b: {  	v4 =	vadd.s32 v1, v4;
	_ =	sdelay $0x4  }
0x10c: {  	[tilespmem:s16], [sflag:$0x4] =	stream.indirect_vreg.gather [hbm4b:s2+s3], $0x80, v4, vm0, $0xb8;
	[tilespmem:$0x1A000] =	vst v63  }
0x10d: {  	s13 =	simm.s32 $0xE800;
	v3 =	vperm.xlane v3, v2  }
0x10e: {  	[tilespmem:s13], [sflag:$0x4] =	stream.indirect_vreg.gather [hbm4b:s5+s3], $0x80, v4, vm0, $0xb8;
	[tilespmem:$0x1A000] =	vst v63  }
0x10f: {  	v3 =	vadd.s32 v1, v3;
	s16 =	simm.s32 $0xF000  }
0x110: {  	[tilespmem:s16], [sflag:$0x4] =	stream.indirect_vreg.gather [hbm4b:s6+s3], $0x80, v4, vm0, $0xb8;
	[tilespmem:$0x1A000] =	vst v63  }
0x111: {  	s17 =	simm.s32 $0xF800  }
0x112: {  	[tilespmem:s17], [sflag:$0x4] =	stream.indirect_vreg.gather [hbm4b:s8+s3], $0x80, v4, vm0, $0xb8;
	[tilespmem:$0x1A000] =	vst v63  }
0x113: {  	s20 =	simm.s32 $0x10000  }
0x114: {  	[tilespmem:s20], [sflag:$0x4] =	stream.indirect_vreg.gather [hbm4b:s2+s3], $0x80, v3, vm0, $0xb8;
	[tilespmem:$0x1A000] =	vst v63  }
0x115: {  	s26 =	simm.s32 $0x10800  }
0x116: {  	[tilespmem:s26], [sflag:$0x4] =	stream.indirect_vreg.gather [hbm4b:s5+s3], $0x80, v3, vm0, $0xb8;
	[tilespmem:$0x1A000] =	vst v63  }
0x117: {  	s30 =	simm.s32 $0x11000  }
0x118: {  	[tilespmem:s30], [sflag:$0x4] =	stream.indirect_vreg.gather [hbm4b:s6+s3], $0x80, v3, vm0, $0xb8;
	[tilespmem:$0x1A000] =	vst v63  }
0x119: {  	s13 =	simm.s32 $0x11800  }
0x11a: {  	[tilespmem:s13], [sflag:$0x4] =	stream.indirect_vreg.gather [hbm4b:s8+s3], $0x80, v3, vm0, $0xb8;
	[tilespmem:$0x1A000] =	vst v63  }
0x11b: {  	_ =	swait.ge [sflag:s12], $0x4000  }
0x11c: {  	[sflag:s12] =	ssyncset.done $0x0  }
0x11d: {  	s16 =	rddreg [dreg:$0xb];
	[sflag:s12] =	ssyncadd.s32 $0xFFFFC000  }
0x11e: {  	[hbm4b:s16+s3] =	stream.linear.scatter [tilespmem:s7], [sflag:$0xC], $0x4000, $0x38;
	[tilespmem:$0x1A000] =	vst v63  }
0x11f: {  	_ =	swait.ge [sflag:s28], $0x4000  }
0x120: {  	[sflag:s28] =	ssyncset.done $0x0  }
0x121: {  	[sflag:s28] =	ssyncadd.s32 $0xFFFFC000  }
0x122: {  	v3 =	vld [tilespmem:$0x500];
	_ =	sdelay $0x4  }
0x123: {  	v63 =	vshll.u32 v3, $0x3  }
0x124: {  	v3 =	vand.u32 $0x7, v3;
	v4 =	vand.u32 $0xFFFFFFC0, v63  }
0x125: {  	v3 =	vor.u32 v3, v4  }
0x126: {  	v4 =	vperm.xlane v3, v0;
	_ =	sdelay $0x1  }
0x127: {  	v4 =	vadd.s32 v1, v4;
	_ =	sdelay $0x4  }
0x128: {  	[tilespmem:s4], [sflag:$0x5] =	stream.indirect_vreg.gather [hbm4b:s2+s3], $0x80, v4, vm0, $0xb8;
	[tilespmem:$0x1A000] =	vst v63  }
0x129: {  	s0 =	simm.s32 $0x12800;
	v3 =	vperm.xlane v3, v2  }
0x12a: {  	[tilespmem:s0], [sflag:$0x5] =	stream.indirect_vreg.gather [hbm4b:s5+s3], $0x80, v4, vm0, $0xb8;
	[tilespmem:$0x1A000] =	vst v63  }
0x12b: {  	s1 =	simm.s32 $0x13000;
	v3 =	vadd.s32 v1, v3  }
0x12c: {  	[tilespmem:s1], [sflag:$0x5] =	stream.indirect_vreg.gather [hbm4b:s6+s3], $0x80, v4, vm0, $0xb8;
	[tilespmem:$0x1A000] =	vst v63  }
0x12d: {  	s14 =	simm.s32 $0x13800  }
0x12e: {  	[tilespmem:s14], [sflag:$0x5] =	stream.indirect_vreg.gather [hbm4b:s8+s3], $0x80, v4, vm0, $0xb8;
	[tilespmem:$0x1A000] =	vst v63  }
0x12f: {  	s31 =	simm.s32 $0x14000  }
0x130: {  	[tilespmem:s31], [sflag:$0x5] =	stream.indirect_vreg.gather [hbm4b:s2+s3], $0x80, v3, vm0, $0xb8;
	[tilespmem:$0x1A000] =	vst v63  }
0x131: {  	s29 =	simm.s32 $0x800;
	s17 =	simm.s32 $0x14800  }
0x132: {  	[tilespmem:s17], [sflag:$0x5] =	stream.indirect_vreg.gather [hbm4b:s5+s3], $0x80, v3, vm0, $0xb8;
	[tilespmem:$0x1A000] =	vst v63  }
0x133: {  	s20 =	simm.s32 $0x15000;
	s26 =	simm.s32 $0x14800;
	s30 =	simm.s32 $0x15800  }
0x134: {  	[tilespmem:s20], [sflag:$0x5] =	stream.indirect_vreg.gather [hbm4b:s6+s3], $0x80, v3, vm0, $0xb8;
	[tilespmem:$0x1A000] =	vst v63  }
0x135: {  	s13 =	simm.s32 $0x0;
	s16 =	simm.s32 $0x15800;
	s17 =	simm.s32 $0x15000  }
0x136: {  	[tilespmem:s30], [sflag:$0x5] =	stream.indirect_vreg.gather [hbm4b:s8+s3], $0x80, v3, vm0, $0xb8;
	[tilespmem:$0x1A000] =	vst v63  }
.LBB2_2:
0x137: {  	_ =	swait.ge [sflag:s21], $0x4000  }
0x138: {  	s30 =	rddreg [dreg:$0x4]  }
0x139: {  	[sflag:s21] =	ssyncset.done $0x0;
	s30 =	sadd.s32 s13, s30  }
0x13a: {  	s9 =	simm.s32 $0x2000;
	[sflag:s21] =	ssyncadd.s32 $0xFFFFC000;
	s20 =	sadd.s32 $0x3000, s30  }
0x13b: {  	[hbm4b:s20+s3] =	stream.linear.scatter [tilespmem:s9], [sflag:$0x7], $0x4000, $0x38;
	[tilespmem:$0x1A000] =	vst v63  }
0x13c: {  	_ =	swait.ge [sflag:s19], $0x4000  }
0x13d: {  	[sflag:s19] =	ssyncset.done $0x0  }
0x13e: {  	[sflag:s19] =	ssyncadd.s32 $0xFFFFC000  }
0x13f: {  	v3 =	vld [tilespmem:s29+$0xFFFFFD80];
	_ =	sdelay $0x4  }
0x140: {  	v4 =	vshll.u32 v3, $0x3  }
0x141: {  	v3 =	vand.u32 $0x7, v3;
	v4 =	vand.u32 $0xFFFFFFC0, v4  }
0x142: {  	v3 =	vor.u32 v3, v4  }
0x143: {  	v4 =	vperm.xlane v3, v0;
	_ =	sdelay $0x1  }
0x144: {  	v4 =	vadd.s32 v1, v4;
	_ =	sdelay $0x3  }
0x145: {  	s7 =	simm.s32 $0x16000  }
0x146: {  	[tilespmem:s7], [sflag:$0x6] =	stream.indirect_vreg.gather [hbm4b:s2+s3], $0x80, v4, vm0, $0xb8;
	[tilespmem:$0x1A000] =	vst v63  }
0x147: {  	s4 =	simm.s32 $0x16800;
	v3 =	vperm.xlane v3, v2  }
0x148: {  	[tilespmem:s4], [sflag:$0x6] =	stream.indirect_vreg.gather [hbm4b:s5+s3], $0x80, v4, vm0, $0xb8;
	[tilespmem:$0x1A000] =	vst v63  }
0x149: {  	v3 =	vadd.s32 v1, v3;
	s4 =	simm.s32 $0x17000  }
0x14a: {  	[tilespmem:s4], [sflag:$0x6] =	stream.indirect_vreg.gather [hbm4b:s6+s3], $0x80, v4, vm0, $0xb8;
	[tilespmem:$0x1A000] =	vst v63  }
0x14b: {  	s4 =	simm.s32 $0x17800  }
0x14c: {  	[tilespmem:s4], [sflag:$0x6] =	stream.indirect_vreg.gather [hbm4b:s8+s3], $0x80, v4, vm0, $0xb8;
	[tilespmem:$0x1A000] =	vst v63  }
0x14d: {  	s4 =	simm.s32 $0x18000  }
0x14e: {  	[tilespmem:s4], [sflag:$0x6] =	stream.indirect_vreg.gather [hbm4b:s2+s3], $0x80, v3, vm0, $0xb8;
	[tilespmem:$0x1A000] =	vst v63  }
0x14f: {  	s4 =	simm.s32 $0x18800  }
0x150: {  	[tilespmem:s4], [sflag:$0x6] =	stream.indirect_vreg.gather [hbm4b:s5+s3], $0x80, v3, vm0, $0xb8;
	[tilespmem:$0x1A000] =	vst v63  }
0x151: {  	s4 =	simm.s32 $0x19000  }
0x152: {  	[tilespmem:s4], [sflag:$0x6] =	stream.indirect_vreg.gather [hbm4b:s6+s3], $0x80, v3, vm0, $0xb8;
	[tilespmem:$0x1A000] =	vst v63  }
0x153: {  	s4 =	simm.s32 $0x19800  }
0x154: {  	[tilespmem:s4], [sflag:$0x6] =	stream.indirect_vreg.gather [hbm4b:s8+s3], $0x80, v3, vm0, $0xb8;
	[tilespmem:$0x1A000] =	vst v63  }
0x155: {  	_ =	swait.ge [sflag:s15], $0x4000  }
0x156: {  	[sflag:s15] =	ssyncset.done $0x0  }
0x157: {  	s20 =	sadd.s32 $0x3800, s30;
	s4 =	simm.s32 $0x6000;
	[sflag:s15] =	ssyncadd.s32 $0xFFFFC000  }
0x158: {  	[hbm4b:s20+s3] =	stream.linear.scatter [tilespmem:s4], [sflag:$0x8], $0x4000, $0x38;
	[tilespmem:$0x1A000] =	vst v63  }
0x159: {  	_ =	swait.ge [sflag:s22], $0x4000  }
0x15a: {  	[sflag:s22] =	ssyncset.done $0x0  }
0x15b: {  	[sflag:s22] =	ssyncadd.s32 $0xFFFFC000  }
0x15c: {  	v3 =	vld [tilespmem:s29+$0xFFFFFE00];
	_ =	sdelay $0x4  }
0x15d: {  	v59 =	vshll.u32 v3, $0x3  }
0x15e: {  	v3 =	vand.u32 $0x7, v3;
	v4 =	vand.u32 $0xFFFFFFC0, v59  }
0x15f: {  	v3 =	vor.u32 v3, v4  }
0x160: {  	v4 =	vperm.xlane v3, v0;
	_ =	sdelay $0x1  }
0x161: {  	v4 =	vadd.s32 v1, v4;
	_ =	sdelay $0x4  }
0x162: {  	[tilespmem:s9], [sflag:$0x1] =	stream.indirect_vreg.gather [hbm4b:s2+s3], $0x80, v4, vm0, $0xb8;
	[tilespmem:$0x1A000] =	vst v63  }
0x163: {  	v3 =	vperm.xlane v3, v2;
	s9 =	simm.s32 $0x2800  }
0x164: {  	[tilespmem:s9], [sflag:$0x1] =	stream.indirect_vreg.gather [hbm4b:s5+s3], $0x80, v4, vm0, $0xb8;
	[tilespmem:$0x1A000] =	vst v63  }
0x165: {  	v3 =	vadd.s32 v1, v3;
	s9 =	simm.s32 $0x3000  }
0x166: {  	[tilespmem:s9], [sflag:$0x1] =	stream.indirect_vreg.gather [hbm4b:s6+s3], $0x80, v4, vm0, $0xb8;
	[tilespmem:$0x1A000] =	vst v63  }
0x167: {  	s9 =	simm.s32 $0x3800  }
0x168: {  	[tilespmem:s9], [sflag:$0x1] =	stream.indirect_vreg.gather [hbm4b:s8+s3], $0x80, v4, vm0, $0xb8;
	[tilespmem:$0x1A000] =	vst v63  }
0x169: {  	s9 =	simm.s32 $0x4000  }
0x16a: {  	[tilespmem:s9], [sflag:$0x1] =	stream.indirect_vreg.gather [hbm4b:s2+s3], $0x80, v3, vm0, $0xb8;
	[tilespmem:$0x1A000] =	vst v63  }
0x16b: {  	s9 =	simm.s32 $0x4800  }
0x16c: {  	[tilespmem:s9], [sflag:$0x1] =	stream.indirect_vreg.gather [hbm4b:s5+s3], $0x80, v3, vm0, $0xb8;
	[tilespmem:$0x1A000] =	vst v63  }
0x16d: {  	s9 =	simm.s32 $0x5000  }
0x16e: {  	[tilespmem:s9], [sflag:$0x1] =	stream.indirect_vreg.gather [hbm4b:s6+s3], $0x80, v3, vm0, $0xb8;
	[tilespmem:$0x1A000] =	vst v63  }
0x16f: {  	s9 =	simm.s32 $0x5800  }
0x170: {  	[tilespmem:s9], [sflag:$0x1] =	stream.indirect_vreg.gather [hbm4b:s8+s3], $0x80, v3, vm0, $0xb8;
	[tilespmem:$0x1A000] =	vst v63  }
0x171: {  	_ =	swait.ge [sflag:s10], $0x4000  }
0x172: {  	[sflag:s10] =	ssyncset.done $0x0  }
0x173: {  	s20 =	sadd.s32 $0x4000, s30;
	s9 =	simm.s32 $0xA000;
	[sflag:s10] =	ssyncadd.s32 $0xFFFFC000  }
0x174: {  	[hbm4b:s20+s3] =	stream.linear.scatter [tilespmem:s9], [sflag:$0x9], $0x4000, $0x38;
	[tilespmem:$0x1A000] =	vst v63  }
0x175: {  	_ =	swait.ge [sflag:s23], $0x4000  }
0x176: {  	[sflag:s23] =	ssyncset.done $0x0  }
0x177: {  	[sflag:s23] =	ssyncadd.s32 $0xFFFFC000  }
0x178: {  	v3 =	vld [tilespmem:s29+$0xFFFFFE80];
	_ =	sdelay $0x4  }
0x179: {  	v60 =	vshll.u32 v3, $0x3  }
0x17a: {  	v3 =	vand.u32 $0x7, v3;
	v4 =	vand.u32 $0xFFFFFFC0, v60  }
0x17b: {  	v3 =	vor.u32 v3, v4  }
0x17c: {  	v4 =	vperm.xlane v3, v0;
	_ =	sdelay $0x1  }
0x17d: {  	v4 =	vadd.s32 v1, v4;
	_ =	sdelay $0x4  }
0x17e: {  	[tilespmem:s4], [sflag:$0x2] =	stream.indirect_vreg.gather [hbm4b:s2+s3], $0x80, v4, vm0, $0xb8;
	[tilespmem:$0x1A000] =	vst v63  }
0x17f: {  	v3 =	vperm.xlane v3, v2;
	s4 =	simm.s32 $0x6800  }
0x180: {  	[tilespmem:s4], [sflag:$0x2] =	stream.indirect_vreg.gather [hbm4b:s5+s3], $0x80, v4, vm0, $0xb8;
	[tilespmem:$0x1A000] =	vst v63  }
0x181: {  	v3 =	vadd.s32 v1, v3;
	s4 =	simm.s32 $0x7000  }
0x182: {  	[tilespmem:s4], [sflag:$0x2] =	stream.indirect_vreg.gather [hbm4b:s6+s3], $0x80, v4, vm0, $0xb8;
	[tilespmem:$0x1A000] =	vst v63  }
0x183: {  	s4 =	simm.s32 $0x7800  }
0x184: {  	[tilespmem:s4], [sflag:$0x2] =	stream.indirect_vreg.gather [hbm4b:s8+s3], $0x80, v4, vm0, $0xb8;
	[tilespmem:$0x1A000] =	vst v63  }
0x185: {  	s4 =	simm.s32 $0x8000  }
0x186: {  	[tilespmem:s4], [sflag:$0x2] =	stream.indirect_vreg.gather [hbm4b:s2+s3], $0x80, v3, vm0, $0xb8;
	[tilespmem:$0x1A000] =	vst v63  }
0x187: {  	s4 =	simm.s32 $0x8800  }
0x188: {  	[tilespmem:s4], [sflag:$0x2] =	stream.indirect_vreg.gather [hbm4b:s5+s3], $0x80, v3, vm0, $0xb8;
	[tilespmem:$0x1A000] =	vst v63  }
0x189: {  	s4 =	simm.s32 $0x9000  }
0x18a: {  	[tilespmem:s4], [sflag:$0x2] =	stream.indirect_vreg.gather [hbm4b:s6+s3], $0x80, v3, vm0, $0xb8;
	[tilespmem:$0x1A000] =	vst v63  }
0x18b: {  	s4 =	simm.s32 $0x9800  }
0x18c: {  	[tilespmem:s4], [sflag:$0x2] =	stream.indirect_vreg.gather [hbm4b:s8+s3], $0x80, v3, vm0, $0xb8;
	[tilespmem:$0x1A000] =	vst v63  }
0x18d: {  	_ =	swait.ge [sflag:s24], $0x4000  }
0x18e: {  	[sflag:s24] =	ssyncset.done $0x0  }
0x18f: {  	s20 =	sadd.s32 $0x4800, s30;
	s4 =	simm.s32 $0xE000;
	[sflag:s24] =	ssyncadd.s32 $0xFFFFC000  }
0x190: {  	[hbm4b:s20+s3] =	stream.linear.scatter [tilespmem:s4], [sflag:$0xA], $0x4000, $0x38;
	[tilespmem:$0x1A000] =	vst v63  }
0x191: {  	_ =	swait.ge [sflag:s11], $0x4000  }
0x192: {  	[sflag:s11] =	ssyncset.done $0x0  }
0x193: {  	[sflag:s11] =	ssyncadd.s32 $0xFFFFC000  }
0x194: {  	v3 =	vld [tilespmem:s29+$0xFFFFFF00];
	_ =	sdelay $0x4  }
0x195: {  	v61 =	vshll.u32 v3, $0x3  }
0x196: {  	v3 =	vand.u32 $0x7, v3;
	v4 =	vand.u32 $0xFFFFFFC0, v61  }
0x197: {  	v3 =	vor.u32 v3, v4  }
0x198: {  	v4 =	vperm.xlane v3, v0;
	_ =	sdelay $0x1  }
0x199: {  	v4 =	vadd.s32 v1, v4;
	_ =	sdelay $0x4  }
0x19a: {  	[tilespmem:s9], [sflag:$0x3] =	stream.indirect_vreg.gather [hbm4b:s2+s3], $0x80, v4, vm0, $0xb8;
	[tilespmem:$0x1A000] =	vst v63  }
0x19b: {  	v3 =	vperm.xlane v3, v2;
	s9 =	simm.s32 $0xA800  }
0x19c: {  	[tilespmem:s9], [sflag:$0x3] =	stream.indirect_vreg.gather [hbm4b:s5+s3], $0x80, v4, vm0, $0xb8;
	[tilespmem:$0x1A000] =	vst v63  }
0x19d: {  	v3 =	vadd.s32 v1, v3;
	s9 =	simm.s32 $0xB000  }
0x19e: {  	[tilespmem:s9], [sflag:$0x3] =	stream.indirect_vreg.gather [hbm4b:s6+s3], $0x80, v4, vm0, $0xb8;
	[tilespmem:$0x1A000] =	vst v63  }
0x19f: {  	s9 =	simm.s32 $0xB800  }
0x1a0: {  	[tilespmem:s9], [sflag:$0x3] =	stream.indirect_vreg.gather [hbm4b:s8+s3], $0x80, v4, vm0, $0xb8;
	[tilespmem:$0x1A000] =	vst v63  }
0x1a1: {  	s9 =	simm.s32 $0xC000  }
0x1a2: {  	[tilespmem:s9], [sflag:$0x3] =	stream.indirect_vreg.gather [hbm4b:s2+s3], $0x80, v3, vm0, $0xb8;
	[tilespmem:$0x1A000] =	vst v63  }
0x1a3: {  	s9 =	simm.s32 $0xC800  }
0x1a4: {  	[tilespmem:s9], [sflag:$0x3] =	stream.indirect_vreg.gather [hbm4b:s5+s3], $0x80, v3, vm0, $0xb8;
	[tilespmem:$0x1A000] =	vst v63  }
0x1a5: {  	s9 =	simm.s32 $0xD000  }
0x1a6: {  	[tilespmem:s9], [sflag:$0x3] =	stream.indirect_vreg.gather [hbm4b:s6+s3], $0x80, v3, vm0, $0xb8;
	[tilespmem:$0x1A000] =	vst v63  }
0x1a7: {  	s9 =	simm.s32 $0xD800  }
0x1a8: {  	[tilespmem:s9], [sflag:$0x3] =	stream.indirect_vreg.gather [hbm4b:s8+s3], $0x80, v3, vm0, $0xb8;
	[tilespmem:$0x1A000] =	vst v63  }
0x1a9: {  	_ =	swait.ge [sflag:s18], $0x4000  }
0x1aa: {  	[sflag:s18] =	ssyncset.done $0x0  }
0x1ab: {  	s20 =	sadd.s32 $0x5000, s30;
	s9 =	simm.s32 $0x12000;
	[sflag:s18] =	ssyncadd.s32 $0xFFFFC000  }
0x1ac: {  	[hbm4b:s20+s3] =	stream.linear.scatter [tilespmem:s9], [sflag:$0xB], $0x4000, $0x38;
	[tilespmem:$0x1A000] =	vst v63  }
0x1ad: {  	_ =	swait.ge [sflag:s25], $0x4000  }
0x1ae: {  	[sflag:s25] =	ssyncset.done $0x0  }
0x1af: {  	[sflag:s25] =	ssyncadd.s32 $0xFFFFC000  }
0x1b0: {  	v3 =	vld [tilespmem:s29+$0xFFFFFF80];
	_ =	sdelay $0x4  }
0x1b1: {  	v62 =	vshll.u32 v3, $0x3  }
0x1b2: {  	v3 =	vand.u32 $0x7, v3;
	v4 =	vand.u32 $0xFFFFFFC0, v62  }
0x1b3: {  	v3 =	vor.u32 v3, v4  }
0x1b4: {  	v4 =	vperm.xlane v3, v0;
	_ =	sdelay $0x1  }
0x1b5: {  	v4 =	vadd.s32 v1, v4;
	_ =	sdelay $0x4  }
0x1b6: {  	[tilespmem:s4], [sflag:$0x4] =	stream.indirect_vreg.gather [hbm4b:s2+s3], $0x80, v4, vm0, $0xb8;
	[tilespmem:$0x1A000] =	vst v63  }
0x1b7: {  	v3 =	vperm.xlane v3, v2;
	s4 =	simm.s32 $0xE800  }
0x1b8: {  	[tilespmem:s4], [sflag:$0x4] =	stream.indirect_vreg.gather [hbm4b:s5+s3], $0x80, v4, vm0, $0xb8;
	[tilespmem:$0x1A000] =	vst v63  }
0x1b9: {  	v3 =	vadd.s32 v1, v3;
	s4 =	simm.s32 $0xF000  }
0x1ba: {  	[tilespmem:s4], [sflag:$0x4] =	stream.indirect_vreg.gather [hbm4b:s6+s3], $0x80, v4, vm0, $0xb8;
	[tilespmem:$0x1A000] =	vst v63  }
0x1bb: {  	s4 =	simm.s32 $0xF800  }
0x1bc: {  	[tilespmem:s4], [sflag:$0x4] =	stream.indirect_vreg.gather [hbm4b:s8+s3], $0x80, v4, vm0, $0xb8;
	[tilespmem:$0x1A000] =	vst v63  }
0x1bd: {  	s4 =	simm.s32 $0x10000  }
0x1be: {  	[tilespmem:s4], [sflag:$0x4] =	stream.indirect_vreg.gather [hbm4b:s2+s3], $0x80, v3, vm0, $0xb8;
	[tilespmem:$0x1A000] =	vst v63  }
0x1bf: {  	s4 =	simm.s32 $0x10800  }
0x1c0: {  	[tilespmem:s4], [sflag:$0x4] =	stream.indirect_vreg.gather [hbm4b:s5+s3], $0x80, v3, vm0, $0xb8;
	[tilespmem:$0x1A000] =	vst v63  }
0x1c1: {  	s4 =	simm.s32 $0x11000  }
0x1c2: {  	[tilespmem:s4], [sflag:$0x4] =	stream.indirect_vreg.gather [hbm4b:s6+s3], $0x80, v3, vm0, $0xb8;
	[tilespmem:$0x1A000] =	vst v63  }
0x1c3: {  	s4 =	simm.s32 $0x11800  }
0x1c4: {  	[tilespmem:s4], [sflag:$0x4] =	stream.indirect_vreg.gather [hbm4b:s8+s3], $0x80, v3, vm0, $0xb8;
	[tilespmem:$0x1A000] =	vst v63  }
0x1c5: {  	_ =	swait.ge [sflag:s12], $0x4000  }
0x1c6: {  	[sflag:s12] =	ssyncset.done $0x0  }
0x1c7: {  	s30 =	sadd.s32 $0x5800, s30;
	[sflag:s12] =	ssyncadd.s32 $0xFFFFC000  }
0x1c8: {  	[hbm4b:s30+s3] =	stream.linear.scatter [tilespmem:s7], [sflag:$0xC], $0x4000, $0x38;
	[tilespmem:$0x1A000] =	vst v63  }
0x1c9: {  	_ =	swait.ge [sflag:s28], $0x4000  }
0x1ca: {  	[sflag:s28] =	ssyncset.done $0x0  }
0x1cb: {  	[sflag:s28] =	ssyncadd.s32 $0xFFFFC000  }
0x1cc: {  	v3 =	vld [tilespmem:s29+$0x0];
	_ =	sdelay $0x4  }
0x1cd: {  	v63 =	vshll.u32 v3, $0x3  }
0x1ce: {  	v3 =	vand.u32 $0x7, v3;
	v4 =	vand.u32 $0xFFFFFFC0, v63  }
0x1cf: {  	v3 =	vor.u32 v3, v4  }
0x1d0: {  	v4 =	vperm.xlane v3, v0;
	_ =	sdelay $0x1  }
0x1d1: {  	v4 =	vadd.s32 v1, v4;
	_ =	sdelay $0x4  }
0x1d2: {  	[tilespmem:s9], [sflag:$0x5] =	stream.indirect_vreg.gather [hbm4b:s2+s3], $0x80, v4, vm0, $0xb8;
	[tilespmem:$0x1A000] =	vst v63  }
0x1d3: {  	v3 =	vperm.xlane v3, v2  }
0x1d4: {  	[tilespmem:s0], [sflag:$0x5] =	stream.indirect_vreg.gather [hbm4b:s5+s3], $0x80, v4, vm0, $0xb8;
	[tilespmem:$0x1A000] =	vst v63  }
0x1d5: {  	v3 =	vadd.s32 v1, v3  }
0x1d6: {  	[tilespmem:s1], [sflag:$0x5] =	stream.indirect_vreg.gather [hbm4b:s6+s3], $0x80, v4, vm0, $0xb8;
	[tilespmem:$0x1A000] =	vst v63  }
0x1d7: {  	_ = 	snop  }
0x1d8: {  	[tilespmem:s14], [sflag:$0x5] =	stream.indirect_vreg.gather [hbm4b:s8+s3], $0x80, v4, vm0, $0xb8;
	[tilespmem:$0x1A000] =	vst v63  }
0x1d9: {  	_ = 	snop  }
0x1da: {  	[tilespmem:s31], [sflag:$0x5] =	stream.indirect_vreg.gather [hbm4b:s2+s3], $0x80, v3, vm0, $0xb8;
	[tilespmem:$0x1A000] =	vst v63  }
0x1db: {  	p0 =	sne.s32 s13, $0x15000  }
0x1dc: {  	[tilespmem:s26], [sflag:$0x5] =	stream.indirect_vreg.gather [hbm4b:s5+s3], $0x80, v3, vm0, $0xb8;
	[tilespmem:$0x1A000] =	vst v63  }
.Ltmp0:
0x1dd: {  	_ = 	snop;
	(pc) =	sbr.rel @p0 .LBB2_2-.Ltmp0, $4  }
0x1de: {  	_ = 	snop  }
0x1df: {  	[tilespmem:s17], [sflag:$0x5] =	stream.indirect_vreg.gather [hbm4b:s6+s3], $0x80, v3, vm0, $0xb8;
	[tilespmem:$0x1A000] =	vst v63  }
0x1e0: {  	s13 =	sadd.s32 $0x3000, s13;
	s4 =	simm.s32 $0x12000;
	s29 =	sadd.s32 $0x300, s29  }
0x1e1: {  	[tilespmem:s16], [sflag:$0x5] =	stream.indirect_vreg.gather [hbm4b:s8+s3], $0x80, v3, vm0, $0xb8;
	[tilespmem:$0x1A000] =	vst v63  }
0x1e2: {  	_ =	swait.ge [sflag:s21], $0x4000  }
0x1e3: {  	[sflag:s21] =	ssyncset.done $0x0  }
0x1e4: {  	s1 =	simm.s32 $0x2000;
	s13 =	rddreg [dreg:$0xc];
	[sflag:s21] =	ssyncadd.s32 $0xFFFFC000  }
0x1e5: {  	[hbm4b:s13+s3] =	stream.linear.scatter [tilespmem:s1], [sflag:$0x7], $0x4000, $0x38;
	[tilespmem:$0x1A000] =	vst v63  }
0x1e6: {  	_ =	swait.ge [sflag:s19], $0x4000  }
0x1e7: {  	[sflag:s19] =	ssyncset.done $0x0  }
0x1e8: {  	[sflag:s19] =	ssyncadd.s32 $0xFFFFC000  }
0x1e9: {  	v3 =	vld [tilespmem:$0x1D80];
	_ =	sdelay $0x4  }
0x1ea: {  	v4 =	vshll.u32 v3, $0x3  }
0x1eb: {  	v3 =	vand.u32 $0x7, v3;
	v4 =	vand.u32 $0xFFFFFFC0, v4  }
0x1ec: {  	v3 =	vor.u32 v3, v4  }
0x1ed: {  	v4 =	vperm.xlane v3, v0;
	_ =	sdelay $0x1  }
0x1ee: {  	v4 =	vadd.s32 v1, v4;
	_ =	sdelay $0x3  }
0x1ef: {  	s7 =	simm.s32 $0x16000  }
0x1f0: {  	[tilespmem:s7], [sflag:$0x6] =	stream.indirect_vreg.gather [hbm4b:s2+s3], $0x80, v4, vm0, $0xb8;
	[tilespmem:$0x1A000] =	vst v63  }
0x1f1: {  	s0 =	simm.s32 $0x16800;
	v3 =	vperm.xlane v3, v2  }
0x1f2: {  	[tilespmem:s0], [sflag:$0x6] =	stream.indirect_vreg.gather [hbm4b:s5+s3], $0x80, v4, vm0, $0xb8;
	[tilespmem:$0x1A000] =	vst v63  }
0x1f3: {  	s9 =	simm.s32 $0x17000;
	v3 =	vadd.s32 v1, v3  }
0x1f4: {  	[tilespmem:s9], [sflag:$0x6] =	stream.indirect_vreg.gather [hbm4b:s6+s3], $0x80, v4, vm0, $0xb8;
	[tilespmem:$0x1A000] =	vst v63  }
0x1f5: {  	s13 =	simm.s32 $0x17800  }
0x1f6: {  	[tilespmem:s13], [sflag:$0x6] =	stream.indirect_vreg.gather [hbm4b:s8+s3], $0x80, v4, vm0, $0xb8;
	[tilespmem:$0x1A000] =	vst v63  }
0x1f7: {  	s14 =	simm.s32 $0x18000  }
0x1f8: {  	[tilespmem:s14], [sflag:$0x6] =	stream.indirect_vreg.gather [hbm4b:s2+s3], $0x80, v3, vm0, $0xb8;
	[tilespmem:$0x1A000] =	vst v63  }
0x1f9: {  	s16 =	simm.s32 $0x18800  }
0x1fa: {  	[tilespmem:s16], [sflag:$0x6] =	stream.indirect_vreg.gather [hbm4b:s5+s3], $0x80, v3, vm0, $0xb8;
	[tilespmem:$0x1A000] =	vst v63  }
0x1fb: {  	s17 =	simm.s32 $0x19000  }
0x1fc: {  	[tilespmem:s17], [sflag:$0x6] =	stream.indirect_vreg.gather [hbm4b:s6+s3], $0x80, v3, vm0, $0xb8;
	[tilespmem:$0x1A000] =	vst v63  }
0x1fd: {  	s20 =	simm.s32 $0x19800  }
0x1fe: {  	[tilespmem:s20], [sflag:$0x6] =	stream.indirect_vreg.gather [hbm4b:s8+s3], $0x80, v3, vm0, $0xb8;
	[tilespmem:$0x1A000] =	vst v63  }
0x1ff: {  	_ =	swait.ge [sflag:s15], $0x4000  }
0x200: {  	[sflag:s15] =	ssyncset.done $0x0  }
0x201: {  	s9 =	simm.s32 $0x6000;
	s26 =	rddreg [dreg:$0xd];
	[sflag:s15] =	ssyncadd.s32 $0xFFFFC000  }
0x202: {  	[hbm4b:s26+s3] =	stream.linear.scatter [tilespmem:s9], [sflag:$0x8], $0x4000, $0x38;
	[tilespmem:$0x1A000] =	vst v63  }
0x203: {  	_ =	swait.ge [sflag:s22], $0x4000  }
0x204: {  	[sflag:s22] =	ssyncset.done $0x0  }
0x205: {  	[sflag:s22] =	ssyncadd.s32 $0xFFFFC000  }
0x206: {  	v3 =	vld [tilespmem:$0x1E00];
	_ =	sdelay $0x4  }
0x207: {  	v60 =	vshll.u32 v3, $0x3  }
0x208: {  	v3 =	vand.u32 $0x7, v3;
	v4 =	vand.u32 $0xFFFFFFC0, v60  }
0x209: {  	v3 =	vor.u32 v3, v4  }
0x20a: {  	v4 =	vperm.xlane v3, v0;
	_ =	sdelay $0x1  }
0x20b: {  	v4 =	vadd.s32 v1, v4;
	_ =	sdelay $0x4  }
0x20c: {  	[tilespmem:s1], [sflag:$0x1] =	stream.indirect_vreg.gather [hbm4b:s2+s3], $0x80, v4, vm0, $0xb8;
	[tilespmem:$0x1A000] =	vst v63  }
0x20d: {  	s29 =	simm.s32 $0x2800;
	v3 =	vperm.xlane v3, v2  }
0x20e: {  	[tilespmem:s29], [sflag:$0x1] =	stream.indirect_vreg.gather [hbm4b:s5+s3], $0x80, v4, vm0, $0xb8;
	[tilespmem:$0x1A000] =	vst v63  }
0x20f: {  	s30 =	simm.s32 $0x3000;
	v3 =	vadd.s32 v1, v3  }
0x210: {  	[tilespmem:s30], [sflag:$0x1] =	stream.indirect_vreg.gather [hbm4b:s6+s3], $0x80, v4, vm0, $0xb8;
	[tilespmem:$0x1A000] =	vst v63  }
0x211: {  	s13 =	simm.s32 $0x3800  }
0x212: {  	[tilespmem:s13], [sflag:$0x1] =	stream.indirect_vreg.gather [hbm4b:s8+s3], $0x80, v4, vm0, $0xb8;
	[tilespmem:$0x1A000] =	vst v63  }
0x213: {  	s14 =	simm.s32 $0x4000  }
0x214: {  	[tilespmem:s14], [sflag:$0x1] =	stream.indirect_vreg.gather [hbm4b:s2+s3], $0x80, v3, vm0, $0xb8;
	[tilespmem:$0x1A000] =	vst v63  }
0x215: {  	s16 =	simm.s32 $0x4800  }
0x216: {  	[tilespmem:s16], [sflag:$0x1] =	stream.indirect_vreg.gather [hbm4b:s5+s3], $0x80, v3, vm0, $0xb8;
	[tilespmem:$0x1A000] =	vst v63  }
0x217: {  	s17 =	simm.s32 $0x5000  }
0x218: {  	[tilespmem:s17], [sflag:$0x1] =	stream.indirect_vreg.gather [hbm4b:s6+s3], $0x80, v3, vm0, $0xb8;
	[tilespmem:$0x1A000] =	vst v63  }
0x219: {  	s20 =	simm.s32 $0x5800  }
0x21a: {  	[tilespmem:s20], [sflag:$0x1] =	stream.indirect_vreg.gather [hbm4b:s8+s3], $0x80, v3, vm0, $0xb8;
	[tilespmem:$0x1A000] =	vst v63  }
0x21b: {  	_ =	swait.ge [sflag:s10], $0x4000  }
0x21c: {  	[sflag:s10] =	ssyncset.done $0x0  }
0x21d: {  	s14 =	simm.s32 $0xA000;
	s26 =	rddreg [dreg:$0xe];
	[sflag:s10] =	ssyncadd.s32 $0xFFFFC000  }
0x21e: {  	[hbm4b:s26+s3] =	stream.linear.scatter [tilespmem:s14], [sflag:$0x9], $0x4000, $0x38;
	[tilespmem:$0x1A000] =	vst v63  }
0x21f: {  	_ =	swait.ge [sflag:s23], $0x4000  }
0x220: {  	[sflag:s23] =	ssyncset.done $0x0  }
0x221: {  	[sflag:s23] =	ssyncadd.s32 $0xFFFFC000  }
0x222: {  	v3 =	vld [tilespmem:$0x1E80];
	_ =	sdelay $0x4  }
0x223: {  	v61 =	vshll.u32 v3, $0x3  }
0x224: {  	v3 =	vand.u32 $0x7, v3;
	v4 =	vand.u32 $0xFFFFFFC0, v61  }
0x225: {  	v3 =	vor.u32 v3, v4  }
0x226: {  	v4 =	vperm.xlane v3, v0;
	_ =	sdelay $0x1  }
0x227: {  	v4 =	vadd.s32 v1, v4;
	_ =	sdelay $0x4  }
0x228: {  	[tilespmem:s9], [sflag:$0x2] =	stream.indirect_vreg.gather [hbm4b:s2+s3], $0x80, v4, vm0, $0xb8;
	[tilespmem:$0x1A000] =	vst v63  }
0x229: {  	s29 =	simm.s32 $0x6800;
	v3 =	vperm.xlane v3, v2  }
0x22a: {  	[tilespmem:s29], [sflag:$0x2] =	stream.indirect_vreg.gather [hbm4b:s5+s3], $0x80, v4, vm0, $0xb8;
	[tilespmem:$0x1A000] =	vst v63  }
0x22b: {  	s30 =	simm.s32 $0x7000;
	v3 =	vadd.s32 v1, v3  }
0x22c: {  	[tilespmem:s30], [sflag:$0x2] =	stream.indirect_vreg.gather [hbm4b:s6+s3], $0x80, v4, vm0, $0xb8;
	[tilespmem:$0x1A000] =	vst v63  }
0x22d: {  	s13 =	simm.s32 $0x7800  }
0x22e: {  	[tilespmem:s13], [sflag:$0x2] =	stream.indirect_vreg.gather [hbm4b:s8+s3], $0x80, v4, vm0, $0xb8;
	[tilespmem:$0x1A000] =	vst v63  }
0x22f: {  	s16 =	simm.s32 $0x8000  }
0x230: {  	[tilespmem:s16], [sflag:$0x2] =	stream.indirect_vreg.gather [hbm4b:s2+s3], $0x80, v3, vm0, $0xb8;
	[tilespmem:$0x1A000] =	vst v63  }
0x231: {  	s17 =	simm.s32 $0x8800  }
0x232: {  	[tilespmem:s17], [sflag:$0x2] =	stream.indirect_vreg.gather [hbm4b:s5+s3], $0x80, v3, vm0, $0xb8;
	[tilespmem:$0x1A000] =	vst v63  }
0x233: {  	s20 =	simm.s32 $0x9000  }
0x234: {  	[tilespmem:s20], [sflag:$0x2] =	stream.indirect_vreg.gather [hbm4b:s6+s3], $0x80, v3, vm0, $0xb8;
	[tilespmem:$0x1A000] =	vst v63  }
0x235: {  	s26 =	simm.s32 $0x9800  }
0x236: {  	[tilespmem:s26], [sflag:$0x2] =	stream.indirect_vreg.gather [hbm4b:s8+s3], $0x80, v3, vm0, $0xb8;
	[tilespmem:$0x1A000] =	vst v63  }
0x237: {  	_ =	swait.ge [sflag:s24], $0x4000  }
0x238: {  	[sflag:s24] =	ssyncset.done $0x0  }
0x239: {  	s16 =	simm.s32 $0xE000;
	s29 =	rddreg [dreg:$0xf];
	[sflag:s24] =	ssyncadd.s32 $0xFFFFC000  }
0x23a: {  	[hbm4b:s29+s3] =	stream.linear.scatter [tilespmem:s16], [sflag:$0xA], $0x4000, $0x38;
	[tilespmem:$0x1A000] =	vst v63  }
0x23b: {  	_ =	swait.ge [sflag:s11], $0x4000  }
0x23c: {  	[sflag:s11] =	ssyncset.done $0x0  }
0x23d: {  	[sflag:s11] =	ssyncadd.s32 $0xFFFFC000  }
0x23e: {  	v3 =	vld [tilespmem:$0x1F00];
	_ =	sdelay $0x4  }
0x23f: {  	v62 =	vshll.u32 v3, $0x3  }
0x240: {  	v3 =	vand.u32 $0x7, v3;
	v4 =	vand.u32 $0xFFFFFFC0, v62  }
0x241: {  	v3 =	vor.u32 v3, v4  }
0x242: {  	v4 =	vperm.xlane v3, v0;
	_ =	sdelay $0x1  }
0x243: {  	v4 =	vadd.s32 v1, v4;
	_ =	sdelay $0x4  }
0x244: {  	[tilespmem:s14], [sflag:$0x3] =	stream.indirect_vreg.gather [hbm4b:s2+s3], $0x80, v4, vm0, $0xb8;
	[tilespmem:$0x1A000] =	vst v63  }
0x245: {  	s30 =	simm.s32 $0xA800;
	v3 =	vperm.xlane v3, v2  }
0x246: {  	[tilespmem:s30], [sflag:$0x3] =	stream.indirect_vreg.gather [hbm4b:s5+s3], $0x80, v4, vm0, $0xb8;
	[tilespmem:$0x1A000] =	vst v63  }
0x247: {  	s13 =	simm.s32 $0xB000;
	v3 =	vadd.s32 v1, v3  }
0x248: {  	[tilespmem:s13], [sflag:$0x3] =	stream.indirect_vreg.gather [hbm4b:s6+s3], $0x80, v4, vm0, $0xb8;
	[tilespmem:$0x1A000] =	vst v63  }
0x249: {  	s17 =	simm.s32 $0xB800  }
0x24a: {  	[tilespmem:s17], [sflag:$0x3] =	stream.indirect_vreg.gather [hbm4b:s8+s3], $0x80, v4, vm0, $0xb8;
	[tilespmem:$0x1A000] =	vst v63  }
0x24b: {  	s20 =	simm.s32 $0xC000  }
0x24c: {  	[tilespmem:s20], [sflag:$0x3] =	stream.indirect_vreg.gather [hbm4b:s2+s3], $0x80, v3, vm0, $0xb8;
	[tilespmem:$0x1A000] =	vst v63  }
0x24d: {  	s26 =	simm.s32 $0xC800  }
0x24e: {  	[tilespmem:s26], [sflag:$0x3] =	stream.indirect_vreg.gather [hbm4b:s5+s3], $0x80, v3, vm0, $0xb8;
	[tilespmem:$0x1A000] =	vst v63  }
0x24f: {  	s29 =	simm.s32 $0xD000  }
0x250: {  	[tilespmem:s29], [sflag:$0x3] =	stream.indirect_vreg.gather [hbm4b:s6+s3], $0x80, v3, vm0, $0xb8;
	[tilespmem:$0x1A000] =	vst v63  }
0x251: {  	s30 =	simm.s32 $0xD800  }
0x252: {  	[tilespmem:s30], [sflag:$0x3] =	stream.indirect_vreg.gather [hbm4b:s8+s3], $0x80, v3, vm0, $0xb8;
	[tilespmem:$0x1A000] =	vst v63  }
0x253: {  	_ =	swait.ge [sflag:s18], $0x4000  }
0x254: {  	[sflag:s18] =	ssyncset.done $0x0  }
0x255: {  	s0 =	rddreg [dreg:$0x10];
	[sflag:s18] =	ssyncadd.s32 $0xFFFFC000  }
0x256: {  	[hbm4b:s0+s3] =	stream.linear.scatter [tilespmem:s4], [sflag:$0xB], $0x4000, $0x38;
	[tilespmem:$0x1A000] =	vst v63  }
0x257: {  	_ =	swait.ge [sflag:s25], $0x4000  }
0x258: {  	[sflag:s25] =	ssyncset.done $0x0  }
0x259: {  	[sflag:s25] =	ssyncadd.s32 $0xFFFFC000  }
0x25a: {  	v3 =	vld [tilespmem:$0x1F80];
	_ =	sdelay $0x4  }
0x25b: {  	v63 =	vshll.u32 v3, $0x3  }
0x25c: {  	v3 =	vand.u32 $0x7, v3;
	v4 =	vand.u32 $0xFFFFFFC0, v63  }
0x25d: {  	v3 =	vor.u32 v3, v4  }
0x25e: {  	v4 =	vperm.xlane v3, v0;
	_ =	sdelay $0x1  }
0x25f: {  	v4 =	vadd.s32 v1, v4;
	_ =	sdelay $0x4  }
0x260: {  	[tilespmem:s16], [sflag:$0x4] =	stream.indirect_vreg.gather [hbm4b:s2+s3], $0x80, v4, vm0, $0xb8;
	[tilespmem:$0x1A000] =	vst v63  }
0x261: {  	s4 =	simm.s32 $0xE800;
	v3 =	vperm.xlane v3, v2  }
0x262: {  	[tilespmem:s4], [sflag:$0x4] =	stream.indirect_vreg.gather [hbm4b:s5+s3], $0x80, v4, vm0, $0xb8;
	[tilespmem:$0x1A000] =	vst v63  }
0x263: {  	s13 =	simm.s32 $0xF000;
	v3 =	vadd.s32 v1, v3  }
0x264: {  	[tilespmem:s13], [sflag:$0x4] =	stream.indirect_vreg.gather [hbm4b:s6+s3], $0x80, v4, vm0, $0xb8;
	[tilespmem:$0x1A000] =	vst v63  }
0x265: {  	s17 =	simm.s32 $0xF800  }
0x266: {  	[tilespmem:s17], [sflag:$0x4] =	stream.indirect_vreg.gather [hbm4b:s8+s3], $0x80, v4, vm0, $0xb8;
	[tilespmem:$0x1A000] =	vst v63  }
0x267: {  	s20 =	simm.s32 $0x10000  }
0x268: {  	[tilespmem:s20], [sflag:$0x4] =	stream.indirect_vreg.gather [hbm4b:s2+s3], $0x80, v3, vm0, $0xb8;
	[tilespmem:$0x1A000] =	vst v63  }
0x269: {  	s26 =	simm.s32 $0x10800  }
0x26a: {  	[tilespmem:s26], [sflag:$0x4] =	stream.indirect_vreg.gather [hbm4b:s5+s3], $0x80, v3, vm0, $0xb8;
	[tilespmem:$0x1A000] =	vst v63  }
0x26b: {  	s29 =	simm.s32 $0x11000  }
0x26c: {  	[tilespmem:s29], [sflag:$0x4] =	stream.indirect_vreg.gather [hbm4b:s6+s3], $0x80, v3, vm0, $0xb8;
	[tilespmem:$0x1A000] =	vst v63  }
0x26d: {  	s30 =	simm.s32 $0x11800  }
0x26e: {  	[tilespmem:s30], [sflag:$0x4] =	stream.indirect_vreg.gather [hbm4b:s8+s3], $0x80, v3, vm0, $0xb8;
	[tilespmem:$0x1A000] =	vst v63  }
0x26f: {  	_ =	swait.ge [sflag:s12], $0x4000  }
0x270: {  	[sflag:s12] =	ssyncset.done $0x0  }
0x271: {  	s4 =	rddreg [dreg:$0x11];
	[sflag:s12] =	ssyncadd.s32 $0xFFFFC000  }
0x272: {  	[hbm4b:s4+s3] =	stream.linear.scatter [tilespmem:s7], [sflag:$0xC], $0x4000, $0x38;
	[tilespmem:$0x1A000] =	vst v63  }
0x273: {  	_ =	swait.ge [sflag:s21], $0x4000  }
0x274: {  	[sflag:s21] =	ssyncset.done $0x0  }
0x275: {  	s17 =	rddreg [dreg:$0x12];
	[sflag:s21] =	ssyncadd.s32 $0xFFFFC000  }
0x276: {  	[hbm4b:s17+s3] =	stream.linear.scatter [tilespmem:s1], [sflag:$0x7], $0x4000, $0x38;
	[tilespmem:$0x1A000] =	vst v63  }
0x277: {  	_ =	swait.ge [sflag:s15], $0x4000  }
0x278: {  	[sflag:s15] =	ssyncset.done $0x0  }
0x279: {  	s20 =	rddreg [dreg:$0x13];
	[sflag:s15] =	ssyncadd.s32 $0xFFFFC000  }
0x27a: {  	[hbm4b:s20+s3] =	stream.linear.scatter [tilespmem:s9], [sflag:$0x8], $0x4000, $0x38;
	[tilespmem:$0x1A000] =	vst v63  }
0x27b: {  	_ =	swait.ge [sflag:s10], $0x4000  }
0x27c: {  	[sflag:s10] =	ssyncset.done $0x0  }
0x27d: {  	s26 =	rddreg [dreg:$0x14];
	[sflag:s10] =	ssyncadd.s32 $0xFFFFC000  }
0x27e: {  	[hbm4b:s26+s3] =	stream.linear.scatter [tilespmem:s14], [sflag:$0x9], $0x4000, $0x38;
	[tilespmem:$0x1A000] =	vst v63  }
0x27f: {  	_ =	swait.ge [sflag:s24], $0x4000  }
0x280: {  	[sflag:s24] =	ssyncset.done $0x0  }
0x281: {  	s29 =	rddreg [dreg:$0x15];
	[sflag:s24] =	ssyncadd.s32 $0xFFFFC000  }
0x282: {  	[hbm4b:s29+s3] =	stream.linear.scatter [tilespmem:s16], [sflag:$0xA], $0x4000, $0x38;
	[tilespmem:$0x1A000] =	vst v63  }
0x283: {  	_ =	swait.ge [sflag:s28], $0x4000  }
0x284: {  	[sflag:s28] =	ssyncset.done $0x0  }
0x285: {  	[sflag:s28] =	ssyncadd.s32 $0xFFFFC000  }
0x286: {  	_ =	swait.ge [sflag:s19], $0x4000  }
0x287: {  	[sflag:s19] =	ssyncset.done $0x0  }
0x288: {  	[sflag:s19] =	ssyncadd.s32 $0xFFFFC000  }
0x289: {  	_ =	swait.ge [sflag:s22], $0x4000  }
0x28a: {  	[sflag:s22] =	ssyncset.done $0x0  }
0x28b: {  	[sflag:s22] =	ssyncadd.s32 $0xFFFFC000  }
0x28c: {  	_ =	swait.ge [sflag:s23], $0x4000  }
0x28d: {  	[sflag:s23] =	ssyncset.done $0x0  }
0x28e: {  	[sflag:s23] =	ssyncadd.s32 $0xFFFFC000  }
0x28f: {  	_ =	swait.ge [sflag:s11], $0x4000  }
0x290: {  	[sflag:s11] =	ssyncset.done $0x0  }
0x291: {  	[sflag:s11] =	ssyncadd.s32 $0xFFFFC000  }
0x292: {  	_ =	swait.ge [sflag:s25], $0x4000  }
0x293: {  	s20 =	rddreg [dreg:$0x17]  }
0x294: {  	s30 =	rddreg [dreg:$0x16];
	s20 =	sadd.s32 $0x1, s20  }
0x295: {  	p0 =	sne.s32 s20, s30  }
.Ltmp1:
0x296: {  	_ = 	snop;
	(pc) =	sbr.rel @p0 .LBB2_1-.Ltmp1, $3  }
0x297: {  	_ =	sdelay $0x1  }
0x298: {  	s31 =	simm.s32 $0x14000;
	s0 =	simm.s32 $0x12800;
	[sflag:s25] =	ssyncset.done $0x0  }
0x299: {  	s1 =	simm.s32 $0x13000;
	s14 =	simm.s32 $0x13800;
	[sflag:s25] =	ssyncadd.s32 $0xFFFFC000  }
0x29a: {  	_ =	sfence.sel $0x180000  }
0x29b: {  	[bflag:$0x0] =	sbarrier.arrive $0xFFFF  }
0x29c: {  	_ =	strace $0x90000047  }
0x29d: {  	s0 =	stileid.u32;
	[bflag:$0x2] =	sbarrier.arrive $0xFFFF  }
0x29e: {  	p0 =	sne.s32 s0, $0x0;
	s0 =	rddreg [dreg:$0x3]  }
0x29f: {  	s0 =	sadd.s32 @!p0 $0x100000, s0  }
0x2a0: {  	[sflag:s0] =	ssyncadd.tile.s32 @!p0 $0x1;
	_ =	shalt  }
.Lfunc_end2:
_tile_overlayer_lowered:
.L_overlay_start_2:
0x2a1: {  	(tag) =	ssettag $0x2  }
0x2a2: {  	s0 =	rddreg [dreg:$0x0];
	s2 =	stileid.u32  }
0x2a3: {  	s1 =	rddreg [dreg:$0x1];
	p0 =	sne.s32 s2, $0x0  }
0x2a4: {  	s3 =	rddreg [dreg:$0x2];
	[bflag:$0x3] =	sbarrier.arrive $0xFFFF;
	s2 =	simm.s32 @!p0 $0x1C0D  }
0x2a5: {  	[timem:s3], [sflag:s2] =	dma.local @!p0 [hbm:s0], s1  }
0x2a6: {  	s0 =	simm.s32 @!p0 $0xD  }
0x2a7: {  	_ =	swait.ge @!p0 [sflag:s0], s1  }
0x2a8: {  	s1 =	ssub.s32 @!p0 $0x0, s1;
	[sflag:s0] =	ssyncset.done @!p0 $0x0  }
0x2a9: {  	[sflag:s0] =	ssyncadd.s32 @!p0 s1  }
0x2aa: {  	[bflag:$0x3] =	sbarrier.arrive $0xFFFF  }
0x2ab: {  	_ =	shalt  }

</sc_bundles>
